<compile_context>
chip_gen: v7x
topology: tpu7x:2x2x1
jax: 0.10.2.dev20260603
libtpu: 0.0.44.dev20260713+nightly
codegen_flags: <defaults>
</compile_context>

<pallas_src>
import jax
import jax.numpy as jnp
from jax import lax
from jax.experimental import pallas as pl
from jax.experimental.pallas import tpu as pltpu
from jax.experimental.pallas import tpu_sc as plsc

NC = 2
NS = 16
NW = NC * NS
GE = 512
FEAT = 16
PACK = 8

STRIPE = 6256
ACC_ROWS = STRIPE * NS
ACC_PACK = ACC_ROWS // PACK


def _mesh():
    return plsc.VectorSubcoreMesh(core_axis_name="c", subcore_axis_name="s")


def _groups_per_tile(n_edges):
    g = -(-n_edges // (NW * GE))
    return -(-g // 6) * 6




def _acc_out_spec():
    return (jax.ShapeDtypeStruct((ACC_ROWS, FEAT), jnp.float32),
            jax.ShapeDtypeStruct((ACC_ROWS, FEAT), jnp.float32))


def _zero_and_barrier(z_hbm, acc_sh, s):
    pltpu.sync_copy(z_hbm.at[pl.ds(s * STRIPE, STRIPE)],
                    acc_sh.at[pl.ds(s * STRIPE, STRIPE)])


def _copy_out(acc_sh, out0, out1, c, s):
    @pl.when(c == 0)
    def _():
        pltpu.sync_copy(acc_sh.at[pl.ds(s * STRIPE, STRIPE)],
                        out0.at[pl.ds(s * STRIPE, STRIPE)])

    @pl.when(c == 1)
    def _():
        pltpu.sync_copy(acc_sh.at[pl.ds(s * STRIPE, STRIPE)],
                        out1.at[pl.ds(s * STRIPE, STRIPE)])


def _sc_degree(dst_flat, zeros_f, ones_blk, gpt):

    def body(dst_hbm, z_hbm, one_hbm, out0, out1, dstv0, dstv1, onev,
             acc_sh, ss0, ss1):
        c = lax.axis_index("c")
        s = lax.axis_index("s")
        _zero_and_barrier(z_hbm, acc_sh, s)
        pltpu.sync_copy(one_hbm, onev)
        plsc.subcore_barrier()
        base = (c * NS + s) * gpt
        dstv = (dstv0, dstv1)
        ss = (ss0, ss1)

        def steps(g, b):
            @pl.when(g >= 2)
            def _():
                pltpu.make_async_copy(onev, acc_sh.at[dstv[b]], ss[b]).wait()
            pltpu.sync_copy(dst_hbm.at[pl.ds((base + g) * GE, GE)], dstv[b])
            pltpu.async_copy(onev, acc_sh.at[dstv[b]], ss[b], add=True)

        def pair(i, carry):
            steps(2 * i, 0)
            steps(2 * i + 1, 1)
            return carry

        lax.fori_loop(0, gpt // 2, pair, 0)
        pltpu.make_async_copy(onev, acc_sh.at[dstv0], ss0).wait()
        pltpu.make_async_copy(onev, acc_sh.at[dstv1], ss1).wait()
        plsc.subcore_barrier()
        _copy_out(acc_sh, out0, out1, c, s)

    f = pl.kernel(
        body,
        out_type=_acc_out_spec(),
        mesh=_mesh(),
        scratch_types=[
            pltpu.VMEM((GE,), jnp.int32),
            pltpu.VMEM((GE,), jnp.int32),
            pltpu.VMEM((GE, FEAT), jnp.float32),
            pltpu.VMEM_SHARED((ACC_ROWS, FEAT), jnp.float32),
            pltpu.SemaphoreType.DMA,
            pltpu.SemaphoreType.DMA,
        ],
        compiler_params=pltpu.CompilerParams(use_tc_tiling_on_sc=False),
    )
    return f(dst_flat, zeros_f, ones_blk)


def _sc_aggregate(src_flat, dst_flat, p, zeros_f, gpt):

    def body(src_hbm, dst_hbm, p_hbm, z_hbm, out0, out1, srcv0, srcv1,
             dstv0, dstv1, rows0, rows1, acc_sh, gs0, gs1, ss0, ss1):
        c = lax.axis_index("c")
        s = lax.axis_index("s")
        _zero_and_barrier(z_hbm, acc_sh, s)
        plsc.subcore_barrier()
        base = (c * NS + s) * gpt
        srcv = (srcv0, srcv1)
        dstv = (dstv0, dstv1)
        rows = (rows0, rows1)
        gs = (gs0, gs1)
        ss = (ss0, ss1)

        def load(g, b):
            off = (base + g) * GE
            pltpu.sync_copy(src_hbm.at[pl.ds(off, GE)], srcv[b])
            pltpu.sync_copy(dst_hbm.at[pl.ds(off, GE)], dstv[b])

        def steps(g, b):
            nb = 1 - b
            @pl.when(g >= 1)
            def _():
                pltpu.make_async_copy(rows[nb], acc_sh.at[dstv[nb]],
                                      ss[nb]).wait()

            @pl.when(g + 1 < gpt)
            def _():
                load(g + 1, nb)
            pltpu.make_async_copy(p_hbm.at[srcv[b]], rows[b], gs[b]).wait()
            pltpu.async_copy(rows[b], acc_sh.at[dstv[b]], ss[b], add=True)

            @pl.when(g + 1 < gpt)
            def _():
                pltpu.async_copy(p_hbm.at[srcv[nb]], rows[nb], gs[nb])

        def pair(i, carry):
            steps(2 * i, 0)
            steps(2 * i + 1, 1)
            return carry

        load(0, 0)
        pltpu.async_copy(p_hbm.at[srcv0], rows0, gs0)
        lax.fori_loop(0, gpt // 2, pair, 0)
        pltpu.make_async_copy(rows1, acc_sh.at[dstv1], ss1).wait()
        plsc.subcore_barrier()
        _copy_out(acc_sh, out0, out1, c, s)

    f = pl.kernel(
        body,
        out_type=_acc_out_spec(),
        mesh=_mesh(),
        scratch_types=[
            pltpu.VMEM((GE,), jnp.int32),
            pltpu.VMEM((GE,), jnp.int32),
            pltpu.VMEM((GE,), jnp.int32),
            pltpu.VMEM((GE,), jnp.int32),
            pltpu.VMEM((GE, FEAT), jnp.float32),
            pltpu.VMEM((GE, FEAT), jnp.float32),
            pltpu.VMEM_SHARED((ACC_ROWS, FEAT), jnp.float32),
            pltpu.SemaphoreType.DMA,
            pltpu.SemaphoreType.DMA,
            pltpu.SemaphoreType.DMA,
            pltpu.SemaphoreType.DMA,
        ],
        compiler_params=pltpu.CompilerParams(use_tc_tiling_on_sc=False),
    )
    return f(src_flat, dst_flat, p, zeros_f)



_PBLK = 1024


def _pgrid():
    return (-(-ACC_PACK // _PBLK),)


def _pspec():
    return pl.BlockSpec((_PBLK, 128), lambda i: (i, 0))


def _fspec(r, c):
    return pl.BlockSpec((r, c), lambda i: (0, 0))


def _stage_a_body(a0, a1, xp, wb, bmat, d_out, p_out):
    deg = jnp.dot(a0[...] + a1[...], bmat[...],
                  preferred_element_type=jnp.float32) + 1.0
    dd = lax.rsqrt(deg)
    d_out[...] = dd
    xw = jnp.dot(xp[...], wb[...], preferred_element_type=jnp.float32)
    p_out[...] = dd * xw


def _stage_mid_body(a0, a1, p, d, bt, wb, out):
    dd = d[...]
    h = dd * (a0[...] + a1[...] + p[...]) + bt[...]
    out[...] = dd * jnp.dot(jnp.tanh(h), wb[...],
                            preferred_element_type=jnp.float32)


def _stage_last_body(a0, a1, p, d, bt, out):
    out[...] = d[...] * (a0[...] + a1[...] + p[...]) + bt[...]


def _tc_stage_a(a0p, a1p, xp, w1b, bmat):
    return pl.pallas_call(
        _stage_a_body,
        grid=_pgrid(),
        in_specs=[_pspec(), _pspec(), _pspec(),
                  _fspec(128, 128), _fspec(128, 128)],
        out_specs=[_pspec(), _pspec()],
        out_shape=[jax.ShapeDtypeStruct((ACC_PACK, 128), jnp.float32),
                   jax.ShapeDtypeStruct((ACC_PACK, 128), jnp.float32)],
    )(a0p, a1p, xp, w1b, bmat)


def _tc_stage_mid(a0p, a1p, pp, dp, bt, wbig):
    return pl.pallas_call(
        _stage_mid_body,
        grid=_pgrid(),
        in_specs=[_pspec(), _pspec(), _pspec(), _pspec(),
                  _fspec(1, 128), _fspec(128, 128)],
        out_specs=_pspec(),
        out_shape=jax.ShapeDtypeStruct((ACC_PACK, 128), jnp.float32),
    )(a0p, a1p, pp, dp, bt, wbig)


def _tc_stage_last(a0p, a1p, pp, dp, bt):
    return pl.pallas_call(
        _stage_last_body,
        grid=_pgrid(),
        in_specs=[_pspec(), _pspec(), _pspec(), _pspec(), _fspec(1, 128)],
        out_specs=_pspec(),
        out_shape=jax.ShapeDtypeStruct((ACC_PACK, 128), jnp.float32),
    )(a0p, a1p, pp, dp, bt)




def _packed(a):
    return a.reshape(ACC_PACK, 128)


def kernel(x, edge_index, W1, b1, W2, b2, W3, b3):
    n = x.shape[0]
    e = edge_index.shape[1]
    gpt = _groups_per_tile(e)
    e_pad = gpt * NW * GE

    src = edge_index[0].astype(jnp.int32)
    dst = edge_index[1].astype(jnp.int32)
    pad = e_pad - e
    src_flat = jnp.concatenate([src, jnp.zeros((pad,), jnp.int32)])
    dst_flat = jnp.concatenate([dst, jnp.full((pad,), n, jnp.int32)])

    eye = jnp.eye(PACK, dtype=jnp.float32)

    def kr(w):
        return jnp.kron(eye, jnp.pad(w, ((0, FEAT - w.shape[0]),
                                         (0, FEAT - w.shape[1]))))

    w1b = kr(W1)
    w2b = kr(W2)
    w3b = kr(W3)
    bcast = jnp.kron(eye, jnp.zeros((FEAT, FEAT), jnp.float32)
                     .at[0, :].set(1.0))
    b1t = jnp.tile(jnp.pad(b1, (0, FEAT - b1.shape[0])), PACK).reshape(1, 128)
    b2t = jnp.tile(jnp.pad(b2, (0, FEAT - b2.shape[0])), PACK).reshape(1, 128)
    b3t = jnp.tile(jnp.pad(b3, (0, FEAT - b3.shape[0])), PACK).reshape(1, 128)
    xp = jnp.pad(x, ((0, ACC_ROWS - n), (0, FEAT - x.shape[1]))
                 ).reshape(ACC_PACK, 128)

    zeros_f = jnp.zeros((ACC_ROWS, FEAT), jnp.float32)
    ones_blk = jnp.zeros((GE, FEAT), jnp.float32).at[:, 0].set(1.0)

    deg0, deg1 = _sc_degree(dst_flat, zeros_f, ones_blk, gpt)
    dp, p1p = _tc_stage_a(_packed(deg0), _packed(deg1), xp, w1b, bcast)

    a0, a1 = _sc_aggregate(src_flat, dst_flat,
                           p1p.reshape(ACC_ROWS, FEAT), zeros_f, gpt)
    p2p = _tc_stage_mid(_packed(a0), _packed(a1), p1p, dp, b1t, w2b)

    a0, a1 = _sc_aggregate(src_flat, dst_flat,
                           p2p.reshape(ACC_ROWS, FEAT), zeros_f, gpt)
    p3p = _tc_stage_mid(_packed(a0), _packed(a1), p2p, dp, b2t, w3b)

    a0, a1 = _sc_aggregate(src_flat, dst_flat,
                           p3p.reshape(ACC_ROWS, FEAT), zeros_f, gpt)
    res = _tc_stage_last(_packed(a0), _packed(a1), p3p, dp, b3t)
    return res.reshape(ACC_ROWS, FEAT)[:n, : W3.shape[1]]

# --- scband reference (transcript-rebuilt; emitter-appended) ---
"""Pipeline reference for scband-gcn-3-47278999995057 (READ-ONLY COPY).

The authoritative reference and input builder live on the scoring server;
editing this copy changes nothing except your own understanding.
"""

import jax, jax.numpy as jnp
import numpy as np

N_NODES = 100000
N_EDGES = 6400000


def _glorot(key, shape):
    fan_in, fan_out = shape[0], shape[1]
    limit = float(np.sqrt(6.0 / (fan_in + fan_out)))
    return jax.random.uniform(key, shape, dtype=jnp.float32, minval=-limit, maxval=limit)


def setup_inputs(seed: int = 0) -> dict:
    key = jax.random.key(seed)
    k_x, k_e, k1, k2, k3 = jax.random.split(key, 5)
    x = jax.random.normal(k_x, (N_NODES, 9), dtype=jnp.float32)
    edge_index = jax.random.randint(k_e, (2, N_EDGES), 0, N_NODES, dtype=jnp.int64)
    W1 = _glorot(k1, (9, 4))
    b1 = jnp.zeros((4,), dtype=jnp.float32)
    W2 = _glorot(k2, (4, 4))
    b2 = jnp.zeros((4,), dtype=jnp.float32)
    W3 = _glorot(k3, (4, 2))
    b3 = jnp.zeros((2,), dtype=jnp.float32)
    return {"x": x, "edge_index": edge_index, "W1": W1, "b1": b1, "W2": W2, "b2": b2, "W3": W3, "b3": b3}


def gcn_conv(x, edge_index, W, b):
    n = x.shape[0]
    h = x @ W
    loop = jnp.arange(n, dtype=edge_index.dtype)
    src = jnp.concatenate([edge_index[0], loop])
    dst = jnp.concatenate([edge_index[1], loop])
    deg = jnp.zeros((n,), dtype=h.dtype).at[dst].add(1.0)
    deg_inv_sqrt = jnp.where(deg > 0, jax.lax.rsqrt(jnp.maximum(deg, 1e-12)), 0.0)
    norm = deg_inv_sqrt[src] * deg_inv_sqrt[dst]
    msg = h[src] * norm[:, None]
    out = jnp.zeros((n, h.shape[1]), dtype=h.dtype).at[dst].add(msg)
    return out + b


def reference(x, edge_index, W1, b1, W2, b2, W3, b3):
    h = gcn_conv(x, edge_index, W1, b1)
    h = jnp.tanh(h)
    h = gcn_conv(h, edge_index, W2, b2)
    h = jnp.tanh(h)
    h = gcn_conv(h, edge_index, W3, b3)
    return h

if __name__ == "__main__":
    import jax
    _d = setup_inputs()
    print(jax.jit(kernel)(*tuple(_d.values())))

</pallas_src>

<mosaic_0001>
#map = affine_map<(d0, d1) -> (0)>
#map1 = affine_map<(d0, d1) -> (0, 0)>
module attributes {stable_mosaic.version = 14 : i64} {
  func.func @body(%arg0: i32, %arg1: i32, %arg2: memref<6488064xi32, #tpu.memory_space<hbm>>, %arg3: memref<6488064xi32, #tpu.memory_space<hbm>>, %arg4: memref<100096x16xf32, #tpu.memory_space<hbm>>, %arg5: memref<100096x16xf32, #tpu.memory_space<hbm>>, %arg6: memref<100096x16xf32, #tpu.memory_space<hbm>>, %arg7: memref<100096x16xf32, #tpu.memory_space<hbm>>, %arg8: memref<512xi32, #tpu.memory_space<vmem>>, %arg9: memref<512xi32, #tpu.memory_space<vmem>>, %arg10: memref<512xi32, #tpu.memory_space<vmem>>, %arg11: memref<512xi32, #tpu.memory_space<vmem>>, %arg12: memref<512x16xf32, #tpu.memory_space<vmem>>, %arg13: memref<512x16xf32, #tpu.memory_space<vmem>>, %arg14: memref<100096x16xf32, #tpu.memory_space<vmem_shared>>, %arg15: memref<!tpu.dma_semaphore, #tpu.memory_space<semaphore_mem>>, %arg16: memref<!tpu.dma_semaphore, #tpu.memory_space<semaphore_mem>>, %arg17: memref<!tpu.dma_semaphore, #tpu.memory_space<semaphore_mem>>, %arg18: memref<!tpu.dma_semaphore, #tpu.memory_space<semaphore_mem>>) attributes {dimension_semantics = [#tpu.dimension_semantics<core_parallel>, #tpu.dimension_semantics<subcore_parallel>], iteration_bounds = array<i64: 2, 16>, scalar_prefetch = 0 : i64, scratch_operands = 11 : i64, tpu.core_type = #tpu.core_type<sc_vector_subcore>, window_params = [{transform_indices = #map}, {transform_indices = #map}, {transform_indices = #map1}, {transform_indices = #map1}, {transform_indices = #map1}, {transform_indices = #map1}]} {
    %mul3A = arith.constant 6256 : i32
    %mul3A_0 = arith.muli %arg1, %mul3A : i32
    %mul3A_1 = arith.constant 6256 : i32
    %mul3A_2 = arith.muli %arg1, %mul3A_1 : i32
    "tpu.region"() ({
      %run_scoped3A = tpu.sem_alloc : memref<!tpu.dma_semaphore, #tpu.memory_space<semaphore_mem>>
      %dma_start3A_28 = arith.constant 0 : i32
      %dma_start3A_29 = tpu.memref_slice %arg14[%mul3A_2, %dma_start3A_28] : memref<100096x16xf32, #tpu.memory_space<vmem_shared>> -> memref<6256x16xf32, #tpu.memory_space<vmem_shared>>
      %dma_start3A_30 = arith.constant 0 : i32
      %dma_start3A_31 = tpu.memref_slice %arg5[%mul3A_0, %dma_start3A_30] : memref<100096x16xf32, #tpu.memory_space<hbm>> -> memref<6256x16xf32, #tpu.memory_space<hbm>>
      tpu.enqueue_dma source(%dma_start3A_31 : memref<6256x16xf32, #tpu.memory_space<hbm>>) target(%dma_start3A_29 : memref<6256x16xf32, #tpu.memory_space<vmem_shared>>) target_semaphore(%run_scoped3A : memref<!tpu.dma_semaphore, #tpu.memory_space<semaphore_mem>>)
      %dma_wait3A_32 = arith.constant 0 : i32
      %dma_wait3A_33 = tpu.memref_slice %arg14[%mul3A_2, %dma_wait3A_32] : memref<100096x16xf32, #tpu.memory_space<vmem_shared>> -> memref<6256x16xf32, #tpu.memory_space<vmem_shared>>
      %dma_wait3A_34 = arith.constant 0 : i32
      %dma_wait3A_35 = tpu.memref_slice %arg5[%mul3A_0, %dma_wait3A_34] : memref<100096x16xf32, #tpu.memory_space<hbm>> -> memref<6256x16xf32, #tpu.memory_space<hbm>>
      tpu.wait_dma2 semaphore(%run_scoped3A : memref<!tpu.dma_semaphore, #tpu.memory_space<semaphore_mem>>) src(%dma_wait3A_35 : memref<6256x16xf32, #tpu.memory_space<hbm>>) dst(%dma_wait3A_33 : memref<6256x16xf32, #tpu.memory_space<vmem_shared>>)
      tpu.yield
    }) : () -> ()
    %barrier3A = arith.constant 0 : index
    tpu.barrier barrier_id(%barrier3A)
    %mul3A_3 = arith.constant 16 : i32
    %mul3A_4 = arith.muli %arg0, %mul3A_3 : i32
    %add3A = arith.addi %mul3A_4, %arg1 : i32
    %mul3A_5 = arith.constant 396 : i32
    %mul3A_6 = arith.muli %add3A, %mul3A_5 : i32
    %add3A_7 = arith.constant 0 : i32
    %add3A_8 = arith.addi %mul3A_6, %add3A_7 : i32
    %mul3A_9 = arith.constant 512 : i32
    %mul3A_10 = arith.muli %add3A_8, %mul3A_9 : i32
    "tpu.region"() ({
      %run_scoped3A = tpu.sem_alloc : memref<!tpu.dma_semaphore, #tpu.memory_space<semaphore_mem>>
      %dma_start3A_28 = tpu.memref_slice %arg2[%mul3A_10] : memref<6488064xi32, #tpu.memory_space<hbm>> -> memref<512xi32, #tpu.memory_space<hbm>>
      %dma_start3A_29 = tpu.memref_slice %arg2[%mul3A_10] : memref<6488064xi32, #tpu.memory_space<hbm>> -> memref<512xi32, #tpu.memory_space<hbm>>
      tpu.enqueue_dma source(%dma_start3A_29 : memref<512xi32, #tpu.memory_space<hbm>>) target(%arg8 : memref<512xi32, #tpu.memory_space<vmem>>) target_semaphore(%run_scoped3A : memref<!tpu.dma_semaphore, #tpu.memory_space<semaphore_mem>>)
      %dma_wait3A_30 = tpu.memref_slice %arg2[%mul3A_10] : memref<6488064xi32, #tpu.memory_space<hbm>> -> memref<512xi32, #tpu.memory_space<hbm>>
      %dma_wait3A_31 = tpu.memref_slice %arg2[%mul3A_10] : memref<6488064xi32, #tpu.memory_space<hbm>> -> memref<512xi32, #tpu.memory_space<hbm>>
      tpu.wait_dma2 semaphore(%run_scoped3A : memref<!tpu.dma_semaphore, #tpu.memory_space<semaphore_mem>>) src(%dma_wait3A_31 : memref<512xi32, #tpu.memory_space<hbm>>) dst(%arg8 : memref<512xi32, #tpu.memory_space<vmem>>)
      tpu.yield
    }) : () -> ()
    "tpu.region"() ({
      %run_scoped3A = tpu.sem_alloc : memref<!tpu.dma_semaphore, #tpu.memory_space<semaphore_mem>>
      %dma_start3A_28 = tpu.memref_slice %arg3[%mul3A_10] : memref<6488064xi32, #tpu.memory_space<hbm>> -> memref<512xi32, #tpu.memory_space<hbm>>
      %dma_start3A_29 = tpu.memref_slice %arg3[%mul3A_10] : memref<6488064xi32, #tpu.memory_space<hbm>> -> memref<512xi32, #tpu.memory_space<hbm>>
      tpu.enqueue_dma source(%dma_start3A_29 : memref<512xi32, #tpu.memory_space<hbm>>) target(%arg10 : memref<512xi32, #tpu.memory_space<vmem>>) target_semaphore(%run_scoped3A : memref<!tpu.dma_semaphore, #tpu.memory_space<semaphore_mem>>)
      %dma_wait3A_30 = tpu.memref_slice %arg3[%mul3A_10] : memref<6488064xi32, #tpu.memory_space<hbm>> -> memref<512xi32, #tpu.memory_space<hbm>>
      %dma_wait3A_31 = tpu.memref_slice %arg3[%mul3A_10] : memref<6488064xi32, #tpu.memory_space<hbm>> -> memref<512xi32, #tpu.memory_space<hbm>>
      tpu.wait_dma2 semaphore(%run_scoped3A : memref<!tpu.dma_semaphore, #tpu.memory_space<semaphore_mem>>) src(%dma_wait3A_31 : memref<512xi32, #tpu.memory_space<hbm>>) dst(%arg10 : memref<512xi32, #tpu.memory_space<vmem>>)
      tpu.yield
    }) : () -> ()
    %dma_start3A = arith.constant 0 : i32
    %dma_start3A_11 = arith.constant 0 : i32
    %dma_start3A_12 = tpu.memref_slice %arg4[%dma_start3A, %dma_start3A_11] : memref<100096x16xf32, #tpu.memory_space<hbm>> -> memref<100096x16xf32, #tpu.memory_space<hbm>>
    tpu.enqueue_indirect_dma source(%dma_start3A_12 : memref<100096x16xf32, #tpu.memory_space<hbm>>) target(%arg12 : memref<512x16xf32, #tpu.memory_space<vmem>>) offsets(%arg8 : memref<512xi32, #tpu.memory_space<vmem>>) semaphore(%arg15 : memref<!tpu.dma_semaphore, #tpu.memory_space<semaphore_mem>>)
    %scan3A = arith.constant 0 : i32
    %scan3A_13 = arith.constant 0 : i32
    %scan3A_14 = arith.constant 198 : i32
    %scan3A_15 = arith.addi %scan3A_13, %scan3A_14 : i32
    %scan3A_16 = arith.constant 1 : i32
    scf.for %scan3A_28 = %scan3A_13 to %scan3A_15 step %scan3A_16  : i32 {
      %mul3A_29 = arith.constant 2 : i32
      %mul3A_30 = arith.muli %mul3A_29, %scan3A_28 : i32
      %ge3A = arith.constant 1 : i32
      %ge3A_31 = arith.cmpi sge, %mul3A_30, %ge3A : i32
      %convert_element_type3A_32 = arith.extui %ge3A_31 : i1 to i32
      %cond3A_33 = arith.constant 0 : i32
      %cond3A_34 = arith.cmpi ne, %convert_element_type3A_32, %cond3A_33 : i32
      scf.if %cond3A_34 {
        %dma_wait3A_83 = arith.constant 0 : i32
        %dma_wait3A_84 = arith.constant 0 : i32
        %dma_wait3A_85 = tpu.memref_slice %arg14[%dma_wait3A_83, %dma_wait3A_84] : memref<100096x16xf32, #tpu.memory_space<vmem_shared>> -> memref<100096x16xf32, #tpu.memory_space<vmem_shared>>
        tpu.wait_indirect_dma semaphore(%arg18 : memref<!tpu.dma_semaphore, #tpu.memory_space<semaphore_mem>>) src(%arg13 : memref<512x16xf32, #tpu.memory_space<vmem>>) dst(%dma_wait3A_85 : memref<100096x16xf32, #tpu.memory_space<vmem_shared>>)
      } else {
      }
      %add3A_35 = arith.constant 1 : i32
      %add3A_36 = arith.addi %mul3A_30, %add3A_35 : i32
      %lt3A = arith.constant 396 : i32
      %lt3A_37 = arith.cmpi slt, %add3A_36, %lt3A : i32
      %convert_element_type3A_38 = arith.extui %lt3A_37 : i1 to i32
      %cond3A_39 = arith.constant 0 : i32
      %cond3A_40 = arith.cmpi ne, %convert_element_type3A_38, %cond3A_39 : i32
      scf.if %cond3A_40 {
        %add3A_83 = arith.constant 1 : i32
        %add3A_84 = arith.addi %mul3A_30, %add3A_83 : i32
        %add3A_85 = arith.addi %mul3A_6, %add3A_84 : i32
        %mul3A_86 = arith.constant 512 : i32
        %mul3A_87 = arith.muli %add3A_85, %mul3A_86 : i32
        "tpu.region"() ({
          %run_scoped3A = tpu.sem_alloc : memref<!tpu.dma_semaphore, #tpu.memory_space<semaphore_mem>>
          %dma_start3A_88 = tpu.memref_slice %arg2[%mul3A_87] : memref<6488064xi32, #tpu.memory_space<hbm>> -> memref<512xi32, #tpu.memory_space<hbm>>
          %dma_start3A_89 = tpu.memref_slice %arg2[%mul3A_87] : memref<6488064xi32, #tpu.memory_space<hbm>> -> memref<512xi32, #tpu.memory_space<hbm>>
          tpu.enqueue_dma source(%dma_start3A_89 : memref<512xi32, #tpu.memory_space<hbm>>) target(%arg9 : memref<512xi32, #tpu.memory_space<vmem>>) target_semaphore(%run_scoped3A : memref<!tpu.dma_semaphore, #tpu.memory_space<semaphore_mem>>)
          %dma_wait3A_90 = tpu.memref_slice %arg2[%mul3A_87] : memref<6488064xi32, #tpu.memory_space<hbm>> -> memref<512xi32, #tpu.memory_space<hbm>>
          %dma_wait3A_91 = tpu.memref_slice %arg2[%mul3A_87] : memref<6488064xi32, #tpu.memory_space<hbm>> -> memref<512xi32, #tpu.memory_space<hbm>>
          tpu.wait_dma2 semaphore(%run_scoped3A : memref<!tpu.dma_semaphore, #tpu.memory_space<semaphore_mem>>) src(%dma_wait3A_91 : memref<512xi32, #tpu.memory_space<hbm>>) dst(%arg9 : memref<512xi32, #tpu.memory_space<vmem>>)
          tpu.yield
        }) : () -> ()
        "tpu.region"() ({
          %run_scoped3A = tpu.sem_alloc : memref<!tpu.dma_semaphore, #tpu.memory_space<semaphore_mem>>
          %dma_start3A_88 = tpu.memref_slice %arg3[%mul3A_87] : memref<6488064xi32, #tpu.memory_space<hbm>> -> memref<512xi32, #tpu.memory_space<hbm>>
          %dma_start3A_89 = tpu.memref_slice %arg3[%mul3A_87] : memref<6488064xi32, #tpu.memory_space<hbm>> -> memref<512xi32, #tpu.memory_space<hbm>>
          tpu.enqueue_dma source(%dma_start3A_89 : memref<512xi32, #tpu.memory_space<hbm>>) target(%arg11 : memref<512xi32, #tpu.memory_space<vmem>>) target_semaphore(%run_scoped3A : memref<!tpu.dma_semaphore, #tpu.memory_space<semaphore_mem>>)
          %dma_wait3A_90 = tpu.memref_slice %arg3[%mul3A_87] : memref<6488064xi32, #tpu.memory_space<hbm>> -> memref<512xi32, #tpu.memory_space<hbm>>
          %dma_wait3A_91 = tpu.memref_slice %arg3[%mul3A_87] : memref<6488064xi32, #tpu.memory_space<hbm>> -> memref<512xi32, #tpu.memory_space<hbm>>
          tpu.wait_dma2 semaphore(%run_scoped3A : memref<!tpu.dma_semaphore, #tpu.memory_space<semaphore_mem>>) src(%dma_wait3A_91 : memref<512xi32, #tpu.memory_space<hbm>>) dst(%arg11 : memref<512xi32, #tpu.memory_space<vmem>>)
          tpu.yield
        }) : () -> ()
      } else {
      }
      %dma_wait3A_41 = arith.constant 0 : i32
      %dma_wait3A_42 = arith.constant 0 : i32
      %dma_wait3A_43 = tpu.memref_slice %arg4[%dma_wait3A_41, %dma_wait3A_42] : memref<100096x16xf32, #tpu.memory_space<hbm>> -> memref<100096x16xf32, #tpu.memory_space<hbm>>
      tpu.wait_indirect_dma semaphore(%arg15 : memref<!tpu.dma_semaphore, #tpu.memory_space<semaphore_mem>>) src(%dma_wait3A_43 : memref<100096x16xf32, #tpu.memory_space<hbm>>) dst(%arg12 : memref<512x16xf32, #tpu.memory_space<vmem>>)
      %dma_start3A_44 = arith.constant 0 : i32
      %dma_start3A_45 = arith.constant 0 : i32
      %dma_start3A_46 = tpu.memref_slice %arg14[%dma_start3A_44, %dma_start3A_45] : memref<100096x16xf32, #tpu.memory_space<vmem_shared>> -> memref<100096x16xf32, #tpu.memory_space<vmem_shared>>
      tpu.enqueue_indirect_dma source(%arg12 : memref<512x16xf32, #tpu.memory_space<vmem>>) target(%dma_start3A_46 : memref<100096x16xf32, #tpu.memory_space<vmem_shared>>) offsets(%arg10 : memref<512xi32, #tpu.memory_space<vmem>>) semaphore(%arg17 : memref<!tpu.dma_semaphore, #tpu.memory_space<semaphore_mem>>) {add = true}
      %add3A_47 = arith.constant 1 : i32
      %add3A_48 = arith.addi %mul3A_30, %add3A_47 : i32
      %lt3A_49 = arith.constant 396 : i32
      %lt3A_50 = arith.cmpi slt, %add3A_48, %lt3A_49 : i32
      %convert_element_type3A_51 = arith.extui %lt3A_50 : i1 to i32
      %cond3A_52 = arith.constant 0 : i32
      %cond3A_53 = arith.cmpi ne, %convert_element_type3A_51, %cond3A_52 : i32
      scf.if %cond3A_53 {
        %dma_start3A_83 = arith.constant 0 : i32
        %dma_start3A_84 = arith.constant 0 : i32
        %dma_start3A_85 = tpu.memref_slice %arg4[%dma_start3A_83, %dma_start3A_84] : memref<100096x16xf32, #tpu.memory_space<hbm>> -> memref<100096x16xf32, #tpu.memory_space<hbm>>
        tpu.enqueue_indirect_dma source(%dma_start3A_85 : memref<100096x16xf32, #tpu.memory_space<hbm>>) target(%arg13 : memref<512x16xf32, #tpu.memory_space<vmem>>) offsets(%arg9 : memref<512xi32, #tpu.memory_space<vmem>>) semaphore(%arg16 : memref<!tpu.dma_semaphore, #tpu.memory_space<semaphore_mem>>)
      } else {
      }
      %mul3A_54 = arith.constant 2 : i32
      %mul3A_55 = arith.muli %mul3A_54, %scan3A_28 : i32
      %add3A_56 = arith.constant 1 : i32
      %add3A_57 = arith.addi %mul3A_55, %add3A_56 : i32
      %ge3A_58 = arith.constant 1 : i32
      %ge3A_59 = arith.cmpi sge, %add3A_57, %ge3A_58 : i32
      %convert_element_type3A_60 = arith.extui %ge3A_59 : i1 to i32
      %cond3A_61 = arith.constant 0 : i32
      %cond3A_62 = arith.cmpi ne, %convert_element_type3A_60, %cond3A_61 : i32
      scf.if %cond3A_62 {
        %dma_wait3A_83 = arith.constant 0 : i32
        %dma_wait3A_84 = arith.constant 0 : i32
        %dma_wait3A_85 = tpu.memref_slice %arg14[%dma_wait3A_83, %dma_wait3A_84] : memref<100096x16xf32, #tpu.memory_space<vmem_shared>> -> memref<100096x16xf32, #tpu.memory_space<vmem_shared>>
        tpu.wait_indirect_dma semaphore(%arg17 : memref<!tpu.dma_semaphore, #tpu.memory_space<semaphore_mem>>) src(%arg12 : memref<512x16xf32, #tpu.memory_space<vmem>>) dst(%dma_wait3A_85 : memref<100096x16xf32, #tpu.memory_space<vmem_shared>>)
      } else {
      }
      %add3A_63 = arith.constant 1 : i32
      %add3A_64 = arith.addi %add3A_57, %add3A_63 : i32
      %lt3A_65 = arith.constant 396 : i32
      %lt3A_66 = arith.cmpi slt, %add3A_64, %lt3A_65 : i32
      %convert_element_type3A_67 = arith.extui %lt3A_66 : i1 to i32
      %cond3A_68 = arith.constant 0 : i32
      %cond3A_69 = arith.cmpi ne, %convert_element_type3A_67, %cond3A_68 : i32
      scf.if %cond3A_69 {
        %add3A_83 = arith.constant 1 : i32
        %add3A_84 = arith.addi %add3A_57, %add3A_83 : i32
        %add3A_85 = arith.addi %mul3A_6, %add3A_84 : i32
        %mul3A_86 = arith.constant 512 : i32
        %mul3A_87 = arith.muli %add3A_85, %mul3A_86 : i32
        "tpu.region"() ({
          %run_scoped3A = tpu.sem_alloc : memref<!tpu.dma_semaphore, #tpu.memory_space<semaphore_mem>>
          %dma_start3A_88 = tpu.memref_slice %arg2[%mul3A_87] : memref<6488064xi32, #tpu.memory_space<hbm>> -> memref<512xi32, #tpu.memory_space<hbm>>
          %dma_start3A_89 = tpu.memref_slice %arg2[%mul3A_87] : memref<6488064xi32, #tpu.memory_space<hbm>> -> memref<512xi32, #tpu.memory_space<hbm>>
          tpu.enqueue_dma source(%dma_start3A_89 : memref<512xi32, #tpu.memory_space<hbm>>) target(%arg8 : memref<512xi32, #tpu.memory_space<vmem>>) target_semaphore(%run_scoped3A : memref<!tpu.dma_semaphore, #tpu.memory_space<semaphore_mem>>)
          %dma_wait3A_90 = tpu.memref_slice %arg2[%mul3A_87] : memref<6488064xi32, #tpu.memory_space<hbm>> -> memref<512xi32, #tpu.memory_space<hbm>>
          %dma_wait3A_91 = tpu.memref_slice %arg2[%mul3A_87] : memref<6488064xi32, #tpu.memory_space<hbm>> -> memref<512xi32, #tpu.memory_space<hbm>>
          tpu.wait_dma2 semaphore(%run_scoped3A : memref<!tpu.dma_semaphore, #tpu.memory_space<semaphore_mem>>) src(%dma_wait3A_91 : memref<512xi32, #tpu.memory_space<hbm>>) dst(%arg8 : memref<512xi32, #tpu.memory_space<vmem>>)
          tpu.yield
        }) : () -> ()
        "tpu.region"() ({
          %run_scoped3A = tpu.sem_alloc : memref<!tpu.dma_semaphore, #tpu.memory_space<semaphore_mem>>
          %dma_start3A_88 = tpu.memref_slice %arg3[%mul3A_87] : memref<6488064xi32, #tpu.memory_space<hbm>> -> memref<512xi32, #tpu.memory_space<hbm>>
          %dma_start3A_89 = tpu.memref_slice %arg3[%mul3A_87] : memref<6488064xi32, #tpu.memory_space<hbm>> -> memref<512xi32, #tpu.memory_space<hbm>>
          tpu.enqueue_dma source(%dma_start3A_89 : memref<512xi32, #tpu.memory_space<hbm>>) target(%arg10 : memref<512xi32, #tpu.memory_space<vmem>>) target_semaphore(%run_scoped3A : memref<!tpu.dma_semaphore, #tpu.memory_space<semaphore_mem>>)
          %dma_wait3A_90 = tpu.memref_slice %arg3[%mul3A_87] : memref<6488064xi32, #tpu.memory_space<hbm>> -> memref<512xi32, #tpu.memory_space<hbm>>
          %dma_wait3A_91 = tpu.memref_slice %arg3[%mul3A_87] : memref<6488064xi32, #tpu.memory_space<hbm>> -> memref<512xi32, #tpu.memory_space<hbm>>
          tpu.wait_dma2 semaphore(%run_scoped3A : memref<!tpu.dma_semaphore, #tpu.memory_space<semaphore_mem>>) src(%dma_wait3A_91 : memref<512xi32, #tpu.memory_space<hbm>>) dst(%arg10 : memref<512xi32, #tpu.memory_space<vmem>>)
          tpu.yield
        }) : () -> ()
      } else {
      }
      %dma_wait3A_70 = arith.constant 0 : i32
      %dma_wait3A_71 = arith.constant 0 : i32
      %dma_wait3A_72 = tpu.memref_slice %arg4[%dma_wait3A_70, %dma_wait3A_71] : memref<100096x16xf32, #tpu.memory_space<hbm>> -> memref<100096x16xf32, #tpu.memory_space<hbm>>
      tpu.wait_indirect_dma semaphore(%arg16 : memref<!tpu.dma_semaphore, #tpu.memory_space<semaphore_mem>>) src(%dma_wait3A_72 : memref<100096x16xf32, #tpu.memory_space<hbm>>) dst(%arg13 : memref<512x16xf32, #tpu.memory_space<vmem>>)
      %dma_start3A_73 = arith.constant 0 : i32
      %dma_start3A_74 = arith.constant 0 : i32
      %dma_start3A_75 = tpu.memref_slice %arg14[%dma_start3A_73, %dma_start3A_74] : memref<100096x16xf32, #tpu.memory_space<vmem_shared>> -> memref<100096x16xf32, #tpu.memory_space<vmem_shared>>
      tpu.enqueue_indirect_dma source(%arg13 : memref<512x16xf32, #tpu.memory_space<vmem>>) target(%dma_start3A_75 : memref<100096x16xf32, #tpu.memory_space<vmem_shared>>) offsets(%arg11 : memref<512xi32, #tpu.memory_space<vmem>>) semaphore(%arg18 : memref<!tpu.dma_semaphore, #tpu.memory_space<semaphore_mem>>) {add = true}
      %add3A_76 = arith.constant 1 : i32
      %add3A_77 = arith.addi %add3A_57, %add3A_76 : i32
      %lt3A_78 = arith.constant 396 : i32
      %lt3A_79 = arith.cmpi slt, %add3A_77, %lt3A_78 : i32
      %convert_element_type3A_80 = arith.extui %lt3A_79 : i1 to i32
      %cond3A_81 = arith.constant 0 : i32
      %cond3A_82 = arith.cmpi ne, %convert_element_type3A_80, %cond3A_81 : i32
      scf.if %cond3A_82 {
        %dma_start3A_83 = arith.constant 0 : i32
        %dma_start3A_84 = arith.constant 0 : i32
        %dma_start3A_85 = tpu.memref_slice %arg4[%dma_start3A_83, %dma_start3A_84] : memref<100096x16xf32, #tpu.memory_space<hbm>> -> memref<100096x16xf32, #tpu.memory_space<hbm>>
        tpu.enqueue_indirect_dma source(%dma_start3A_85 : memref<100096x16xf32, #tpu.memory_space<hbm>>) target(%arg12 : memref<512x16xf32, #tpu.memory_space<vmem>>) offsets(%arg8 : memref<512xi32, #tpu.memory_space<vmem>>) semaphore(%arg15 : memref<!tpu.dma_semaphore, #tpu.memory_space<semaphore_mem>>)
      } else {
      }
    }
    %scan3A_17 = arith.constant 198 : i32
    %dma_wait3A = arith.constant 0 : i32
    %dma_wait3A_18 = arith.constant 0 : i32
    %dma_wait3A_19 = tpu.memref_slice %arg14[%dma_wait3A, %dma_wait3A_18] : memref<100096x16xf32, #tpu.memory_space<vmem_shared>> -> memref<100096x16xf32, #tpu.memory_space<vmem_shared>>
    tpu.wait_indirect_dma semaphore(%arg18 : memref<!tpu.dma_semaphore, #tpu.memory_space<semaphore_mem>>) src(%arg13 : memref<512x16xf32, #tpu.memory_space<vmem>>) dst(%dma_wait3A_19 : memref<100096x16xf32, #tpu.memory_space<vmem_shared>>)
    %barrier3A_20 = arith.constant 0 : index
    tpu.barrier barrier_id(%barrier3A_20)
    %eq3A = arith.constant 0 : i32
    %eq3A_21 = arith.cmpi eq, %arg0, %eq3A : i32
    %convert_element_type3A = arith.extui %eq3A_21 : i1 to i32
    %cond3A = arith.constant 0 : i32
    %cond3A_22 = arith.cmpi ne, %convert_element_type3A, %cond3A : i32
    scf.if %cond3A_22 {
      %mul3A_28 = arith.constant 6256 : i32
      %mul3A_29 = arith.muli %arg1, %mul3A_28 : i32
      %mul3A_30 = arith.constant 6256 : i32
      %mul3A_31 = arith.muli %arg1, %mul3A_30 : i32
      "tpu.region"() ({
        %run_scoped3A = tpu.sem_alloc : memref<!tpu.dma_semaphore, #tpu.memory_space<semaphore_mem>>
        %dma_start3A_32 = arith.constant 0 : i32
        %dma_start3A_33 = tpu.memref_slice %arg6[%mul3A_31, %dma_start3A_32] : memref<100096x16xf32, #tpu.memory_space<hbm>> -> memref<6256x16xf32, #tpu.memory_space<hbm>>
        %dma_start3A_34 = arith.constant 0 : i32
        %dma_start3A_35 = tpu.memref_slice %arg14[%mul3A_29, %dma_start3A_34] : memref<100096x16xf32, #tpu.memory_space<vmem_shared>> -> memref<6256x16xf32, #tpu.memory_space<vmem_shared>>
        tpu.enqueue_dma source(%dma_start3A_35 : memref<6256x16xf32, #tpu.memory_space<vmem_shared>>) target(%dma_start3A_33 : memref<6256x16xf32, #tpu.memory_space<hbm>>) target_semaphore(%run_scoped3A : memref<!tpu.dma_semaphore, #tpu.memory_space<semaphore_mem>>)
        %dma_wait3A_36 = arith.constant 0 : i32
        %dma_wait3A_37 = tpu.memref_slice %arg6[%mul3A_31, %dma_wait3A_36] : memref<100096x16xf32, #tpu.memory_space<hbm>> -> memref<6256x16xf32, #tpu.memory_space<hbm>>
        %dma_wait3A_38 = arith.constant 0 : i32
        %dma_wait3A_39 = tpu.memref_slice %arg14[%mul3A_29, %dma_wait3A_38] : memref<100096x16xf32, #tpu.memory_space<vmem_shared>> -> memref<6256x16xf32, #tpu.memory_space<vmem_shared>>
        tpu.wait_dma2 semaphore(%run_scoped3A : memref<!tpu.dma_semaphore, #tpu.memory_space<semaphore_mem>>) src(%dma_wait3A_39 : memref<6256x16xf32, #tpu.memory_space<vmem_shared>>) dst(%dma_wait3A_37 : memref<6256x16xf32, #tpu.memory_space<hbm>>)
        tpu.yield
      }) : () -> ()
    } else {
    }
    %eq3A_23 = arith.constant 1 : i32
    %eq3A_24 = arith.cmpi eq, %arg0, %eq3A_23 : i32
    %convert_element_type3A_25 = arith.extui %eq3A_24 : i1 to i32
    %cond3A_26 = arith.constant 0 : i32
    %cond3A_27 = arith.cmpi ne, %convert_element_type3A_25, %cond3A_26 : i32
    scf.if %cond3A_27 {
      %mul3A_28 = arith.constant 6256 : i32
      %mul3A_29 = arith.muli %arg1, %mul3A_28 : i32
      %mul3A_30 = arith.constant 6256 : i32
      %mul3A_31 = arith.muli %arg1, %mul3A_30 : i32
      "tpu.region"() ({
        %run_scoped3A = tpu.sem_alloc : memref<!tpu.dma_semaphore, #tpu.memory_space<semaphore_mem>>
        %dma_start3A_32 = arith.constant 0 : i32
        %dma_start3A_33 = tpu.memref_slice %arg7[%mul3A_31, %dma_start3A_32] : memref<100096x16xf32, #tpu.memory_space<hbm>> -> memref<6256x16xf32, #tpu.memory_space<hbm>>
        %dma_start3A_34 = arith.constant 0 : i32
        %dma_start3A_35 = tpu.memref_slice %arg14[%mul3A_29, %dma_start3A_34] : memref<100096x16xf32, #tpu.memory_space<vmem_shared>> -> memref<6256x16xf32, #tpu.memory_space<vmem_shared>>
        tpu.enqueue_dma source(%dma_start3A_35 : memref<6256x16xf32, #tpu.memory_space<vmem_shared>>) target(%dma_start3A_33 : memref<6256x16xf32, #tpu.memory_space<hbm>>) target_semaphore(%run_scoped3A : memref<!tpu.dma_semaphore, #tpu.memory_space<semaphore_mem>>)
        %dma_wait3A_36 = arith.constant 0 : i32
        %dma_wait3A_37 = tpu.memref_slice %arg7[%mul3A_31, %dma_wait3A_36] : memref<100096x16xf32, #tpu.memory_space<hbm>> -> memref<6256x16xf32, #tpu.memory_space<hbm>>
        %dma_wait3A_38 = arith.constant 0 : i32
        %dma_wait3A_39 = tpu.memref_slice %arg14[%mul3A_29, %dma_wait3A_38] : memref<100096x16xf32, #tpu.memory_space<vmem_shared>> -> memref<6256x16xf32, #tpu.memory_space<vmem_shared>>
        tpu.wait_dma2 semaphore(%run_scoped3A : memref<!tpu.dma_semaphore, #tpu.memory_space<semaphore_mem>>) src(%dma_wait3A_39 : memref<6256x16xf32, #tpu.memory_space<vmem_shared>>) dst(%dma_wait3A_37 : memref<6256x16xf32, #tpu.memory_space<hbm>>)
        tpu.yield
      }) : () -> ()
    } else {
    }
    return
  }
}

#map = affine_map<(d0, d1) -> (0)>
#map1 = affine_map<(d0, d1) -> (0, 0)>
module attributes {stable_mosaic.version = 14 : i64} {
  func.func @body(%arg0: i32, %arg1: i32, %arg2: memref<6488064xi32, #tpu.memory_space<hbm>>, %arg3: memref<6488064xi32, #tpu.memory_space<hbm>>, %arg4: memref<100096x16xf32, #tpu.memory_space<hbm>>, %arg5: memref<100096x16xf32, #tpu.memory_space<hbm>>, %arg6: memref<100096x16xf32, #tpu.memory_space<hbm>>, %arg7: memref<100096x16xf32, #tpu.memory_space<hbm>>, %arg8: memref<512xi32, #tpu.memory_space<vmem>>, %arg9: memref<512xi32, #tpu.memory_space<vmem>>, %arg10: memref<512xi32, #tpu.memory_space<vmem>>, %arg11: memref<512xi32, #tpu.memory_space<vmem>>, %arg12: memref<512x16xf32, #tpu.memory_space<vmem>>, %arg13: memref<512x16xf32, #tpu.memory_space<vmem>>, %arg14: memref<100096x16xf32, #tpu.memory_space<vmem_shared>>, %arg15: memref<!tpu.dma_semaphore, #tpu.memory_space<semaphore_mem>>, %arg16: memref<!tpu.dma_semaphore, #tpu.memory_space<semaphore_mem>>, %arg17: memref<!tpu.dma_semaphore, #tpu.memory_space<semaphore_mem>>, %arg18: memref<!tpu.dma_semaphore, #tpu.memory_space<semaphore_mem>>) attributes {dimension_semantics = [#tpu.dimension_semantics<core_parallel>, #tpu.dimension_semantics<subcore_parallel>], iteration_bounds = array<i64: 2, 16>, scalar_prefetch = 0 : i64, scratch_operands = 11 : i64, tpu.core_type = #tpu.core_type<sc_vector_subcore>, window_params = [{transform_indices = #map}, {transform_indices = #map}, {transform_indices = #map1}, {transform_indices = #map1}, {transform_indices = #map1}, {transform_indices = #map1}]} {
    %mul3A = arith.constant 6256 : i32
    %mul3A_0 = arith.muli %arg1, %mul3A : i32
    %mul3A_1 = arith.constant 6256 : i32
    %mul3A_2 = arith.muli %arg1, %mul3A_1 : i32
    "tpu.region"() ({
      %run_scoped3A = tpu.sem_alloc : memref<!tpu.dma_semaphore, #tpu.memory_space<semaphore_mem>>
      %dma_start3A_28 = arith.constant 0 : i32
      %dma_start3A_29 = tpu.memref_slice %arg14[%mul3A_2, %dma_start3A_28] : memref<100096x16xf32, #tpu.memory_space<vmem_shared>> -> memref<6256x16xf32, #tpu.memory_space<vmem_shared>>
      %dma_start3A_30 = arith.constant 0 : i32
      %dma_start3A_31 = tpu.memref_slice %arg5[%mul3A_0, %dma_start3A_30] : memref<100096x16xf32, #tpu.memory_space<hbm>> -> memref<6256x16xf32, #tpu.memory_space<hbm>>
      tpu.enqueue_dma source(%dma_start3A_31 : memref<6256x16xf32, #tpu.memory_space<hbm>>) target(%dma_start3A_29 : memref<6256x16xf32, #tpu.memory_space<vmem_shared>>) target_semaphore(%run_scoped3A : memref<!tpu.dma_semaphore, #tpu.memory_space<semaphore_mem>>)
      %dma_wait3A_32 = arith.constant 0 : i32
      %dma_wait3A_33 = tpu.memref_slice %arg14[%mul3A_2, %dma_wait3A_32] : memref<100096x16xf32, #tpu.memory_space<vmem_shared>> -> memref<6256x16xf32, #tpu.memory_space<vmem_shared>>
      %dma_wait3A_34 = arith.constant 0 : i32
      %dma_wait3A_35 = tpu.memref_slice %arg5[%mul3A_0, %dma_wait3A_34] : memref<100096x16xf32, #tpu.memory_space<hbm>> -> memref<6256x16xf32, #tpu.memory_space<hbm>>
      tpu.wait_dma2 semaphore(%run_scoped3A : memref<!tpu.dma_semaphore, #tpu.memory_space<semaphore_mem>>) src(%dma_wait3A_35 : memref<6256x16xf32, #tpu.memory_space<hbm>>) dst(%dma_wait3A_33 : memref<6256x16xf32, #tpu.memory_space<vmem_shared>>)
      tpu.yield
    }) : () -> ()
    %barrier3A = arith.constant 0 : index
    tpu.barrier barrier_id(%barrier3A)
    %mul3A_3 = arith.constant 16 : i32
    %mul3A_4 = arith.muli %arg0, %mul3A_3 : i32
    %add3A = arith.addi %mul3A_4, %arg1 : i32
    %mul3A_5 = arith.constant 396 : i32
    %mul3A_6 = arith.muli %add3A, %mul3A_5 : i32
    %add3A_7 = arith.constant 0 : i32
    %add3A_8 = arith.addi %mul3A_6, %add3A_7 : i32
    %mul3A_9 = arith.constant 512 : i32
    %mul3A_10 = arith.muli %add3A_8, %mul3A_9 : i32
    "tpu.region"() ({
      %run_scoped3A = tpu.sem_alloc : memref<!tpu.dma_semaphore, #tpu.memory_space<semaphore_mem>>
      %dma_start3A_28 = tpu.memref_slice %arg2[%mul3A_10] : memref<6488064xi32, #tpu.memory_space<hbm>> -> memref<512xi32, #tpu.memory_space<hbm>>
      %dma_start3A_29 = tpu.memref_slice %arg2[%mul3A_10] : memref<6488064xi32, #tpu.memory_space<hbm>> -> memref<512xi32, #tpu.memory_space<hbm>>
      tpu.enqueue_dma source(%dma_start3A_29 : memref<512xi32, #tpu.memory_space<hbm>>) target(%arg8 : memref<512xi32, #tpu.memory_space<vmem>>) target_semaphore(%run_scoped3A : memref<!tpu.dma_semaphore, #tpu.memory_space<semaphore_mem>>)
      %dma_wait3A_30 = tpu.memref_slice %arg2[%mul3A_10] : memref<6488064xi32, #tpu.memory_space<hbm>> -> memref<512xi32, #tpu.memory_space<hbm>>
      %dma_wait3A_31 = tpu.memref_slice %arg2[%mul3A_10] : memref<6488064xi32, #tpu.memory_space<hbm>> -> memref<512xi32, #tpu.memory_space<hbm>>
      tpu.wait_dma2 semaphore(%run_scoped3A : memref<!tpu.dma_semaphore, #tpu.memory_space<semaphore_mem>>) src(%dma_wait3A_31 : memref<512xi32, #tpu.memory_space<hbm>>) dst(%arg8 : memref<512xi32, #tpu.memory_space<vmem>>)
      tpu.yield
    }) : () -> ()
    "tpu.region"() ({
      %run_scoped3A = tpu.sem_alloc : memref<!tpu.dma_semaphore, #tpu.memory_space<semaphore_mem>>
      %dma_start3A_28 = tpu.memref_slice %arg3[%mul3A_10] : memref<6488064xi32, #tpu.memory_space<hbm>> -> memref<512xi32, #tpu.memory_space<hbm>>
      %dma_start3A_29 = tpu.memref_slice %arg3[%mul3A_10] : memref<6488064xi32, #tpu.memory_space<hbm>> -> memref<512xi32, #tpu.memory_space<hbm>>
      tpu.enqueue_dma source(%dma_start3A_29 : memref<512xi32, #tpu.memory_space<hbm>>) target(%arg10 : memref<512xi32, #tpu.memory_space<vmem>>) target_semaphore(%run_scoped3A : memref<!tpu.dma_semaphore, #tpu.memory_space<semaphore_mem>>)
      %dma_wait3A_30 = tpu.memref_slice %arg3[%mul3A_10] : memref<6488064xi32, #tpu.memory_space<hbm>> -> memref<512xi32, #tpu.memory_space<hbm>>
      %dma_wait3A_31 = tpu.memref_slice %arg3[%mul3A_10] : memref<6488064xi32, #tpu.memory_space<hbm>> -> memref<512xi32, #tpu.memory_space<hbm>>
      tpu.wait_dma2 semaphore(%run_scoped3A : memref<!tpu.dma_semaphore, #tpu.memory_space<semaphore_mem>>) src(%dma_wait3A_31 : memref<512xi32, #tpu.memory_space<hbm>>) dst(%arg10 : memref<512xi32, #tpu.memory_space<vmem>>)
      tpu.yield
    }) : () -> ()
    %dma_start3A = arith.constant 0 : i32
    %dma_start3A_11 = arith.constant 0 : i32
    %dma_start3A_12 = tpu.memref_slice %arg4[%dma_start3A, %dma_start3A_11] : memref<100096x16xf32, #tpu.memory_space<hbm>> -> memref<100096x16xf32, #tpu.memory_space<hbm>>
    tpu.enqueue_indirect_dma source(%dma_start3A_12 : memref<100096x16xf32, #tpu.memory_space<hbm>>) target(%arg12 : memref<512x16xf32, #tpu.memory_space<vmem>>) offsets(%arg8 : memref<512xi32, #tpu.memory_space<vmem>>) semaphore(%arg15 : memref<!tpu.dma_semaphore, #tpu.memory_space<semaphore_mem>>)
    %scan3A = arith.constant 0 : i32
    %scan3A_13 = arith.constant 0 : i32
    %scan3A_14 = arith.constant 198 : i32
    %scan3A_15 = arith.addi %scan3A_13, %scan3A_14 : i32
    %scan3A_16 = arith.constant 1 : i32
    scf.for %scan3A_28 = %scan3A_13 to %scan3A_15 step %scan3A_16  : i32 {
      %mul3A_29 = arith.constant 2 : i32
      %mul3A_30 = arith.muli %mul3A_29, %scan3A_28 : i32
      %ge3A = arith.constant 1 : i32
      %ge3A_31 = arith.cmpi sge, %mul3A_30, %ge3A : i32
      %convert_element_type3A_32 = arith.extui %ge3A_31 : i1 to i32
      %cond3A_33 = arith.constant 0 : i32
      %cond3A_34 = arith.cmpi ne, %convert_element_type3A_32, %cond3A_33 : i32
      scf.if %cond3A_34 {
        %dma_wait3A_83 = arith.constant 0 : i32
        %dma_wait3A_84 = arith.constant 0 : i32
        %dma_wait3A_85 = tpu.memref_slice %arg14[%dma_wait3A_83, %dma_wait3A_84] : memref<100096x16xf32, #tpu.memory_space<vmem_shared>> -> memref<100096x16xf32, #tpu.memory_space<vmem_shared>>
        tpu.wait_indirect_dma semaphore(%arg18 : memref<!tpu.dma_semaphore, #tpu.memory_space<semaphore_mem>>) src(%arg13 : memref<512x16xf32, #tpu.memory_space<vmem>>) dst(%dma_wait3A_85 : memref<100096x16xf32, #tpu.memory_space<vmem_shared>>)
      } else {
      }
      %add3A_35 = arith.constant 1 : i32
      %add3A_36 = arith.addi %mul3A_30, %add3A_35 : i32
      %lt3A = arith.constant 396 : i32
      %lt3A_37 = arith.cmpi slt, %add3A_36, %lt3A : i32
      %convert_element_type3A_38 = arith.extui %lt3A_37 : i1 to i32
      %cond3A_39 = arith.constant 0 : i32
      %cond3A_40 = arith.cmpi ne, %convert_element_type3A_38, %cond3A_39 : i32
      scf.if %cond3A_40 {
        %add3A_83 = arith.constant 1 : i32
        %add3A_84 = arith.addi %mul3A_30, %add3A_83 : i32
        %add3A_85 = arith.addi %mul3A_6, %add3A_84 : i32
        %mul3A_86 = arith.constant 512 : i32
        %mul3A_87 = arith.muli %add3A_85, %mul3A_86 : i32
        "tpu.region"() ({
          %run_scoped3A = tpu.sem_alloc : memref<!tpu.dma_semaphore, #tpu.memory_space<semaphore_mem>>
          %dma_start3A_88 = tpu.memref_slice %arg2[%mul3A_87] : memref<6488064xi32, #tpu.memory_space<hbm>> -> memref<512xi32, #tpu.memory_space<hbm>>
          %dma_start3A_89 = tpu.memref_slice %arg2[%mul3A_87] : memref<6488064xi32, #tpu.memory_space<hbm>> -> memref<512xi32, #tpu.memory_space<hbm>>
          tpu.enqueue_dma source(%dma_start3A_89 : memref<512xi32, #tpu.memory_space<hbm>>) target(%arg9 : memref<512xi32, #tpu.memory_space<vmem>>) target_semaphore(%run_scoped3A : memref<!tpu.dma_semaphore, #tpu.memory_space<semaphore_mem>>)
          %dma_wait3A_90 = tpu.memref_slice %arg2[%mul3A_87] : memref<6488064xi32, #tpu.memory_space<hbm>> -> memref<512xi32, #tpu.memory_space<hbm>>
          %dma_wait3A_91 = tpu.memref_slice %arg2[%mul3A_87] : memref<6488064xi32, #tpu.memory_space<hbm>> -> memref<512xi32, #tpu.memory_space<hbm>>
          tpu.wait_dma2 semaphore(%run_scoped3A : memref<!tpu.dma_semaphore, #tpu.memory_space<semaphore_mem>>) src(%dma_wait3A_91 : memref<512xi32, #tpu.memory_space<hbm>>) dst(%arg9 : memref<512xi32, #tpu.memory_space<vmem>>)
          tpu.yield
        }) : () -> ()
        "tpu.region"() ({
          %run_scoped3A = tpu.sem_alloc : memref<!tpu.dma_semaphore, #tpu.memory_space<semaphore_mem>>
          %dma_start3A_88 = tpu.memref_slice %arg3[%mul3A_87] : memref<6488064xi32, #tpu.memory_space<hbm>> -> memref<512xi32, #tpu.memory_space<hbm>>
          %dma_start3A_89 = tpu.memref_slice %arg3[%mul3A_87] : memref<6488064xi32, #tpu.memory_space<hbm>> -> memref<512xi32, #tpu.memory_space<hbm>>
          tpu.enqueue_dma source(%dma_start3A_89 : memref<512xi32, #tpu.memory_space<hbm>>) target(%arg11 : memref<512xi32, #tpu.memory_space<vmem>>) target_semaphore(%run_scoped3A : memref<!tpu.dma_semaphore, #tpu.memory_space<semaphore_mem>>)
          %dma_wait3A_90 = tpu.memref_slice %arg3[%mul3A_87] : memref<6488064xi32, #tpu.memory_space<hbm>> -> memref<512xi32, #tpu.memory_space<hbm>>
          %dma_wait3A_91 = tpu.memref_slice %arg3[%mul3A_87] : memref<6488064xi32, #tpu.memory_space<hbm>> -> memref<512xi32, #tpu.memory_space<hbm>>
          tpu.wait_dma2 semaphore(%run_scoped3A : memref<!tpu.dma_semaphore, #tpu.memory_space<semaphore_mem>>) src(%dma_wait3A_91 : memref<512xi32, #tpu.memory_space<hbm>>) dst(%arg11 : memref<512xi32, #tpu.memory_space<vmem>>)
          tpu.yield
        }) : () -> ()
      } else {
      }
      %dma_wait3A_41 = arith.constant 0 : i32
      %dma_wait3A_42 = arith.constant 0 : i32
      %dma_wait3A_43 = tpu.memref_slice %arg4[%dma_wait3A_41, %dma_wait3A_42] : memref<100096x16xf32, #tpu.memory_space<hbm>> -> memref<100096x16xf32, #tpu.memory_space<hbm>>
      tpu.wait_indirect_dma semaphore(%arg15 : memref<!tpu.dma_semaphore, #tpu.memory_space<semaphore_mem>>) src(%dma_wait3A_43 : memref<100096x16xf32, #tpu.memory_space<hbm>>) dst(%arg12 : memref<512x16xf32, #tpu.memory_space<vmem>>)
      %dma_start3A_44 = arith.constant 0 : i32
      %dma_start3A_45 = arith.constant 0 : i32
      %dma_start3A_46 = tpu.memref_slice %arg14[%dma_start3A_44, %dma_start3A_45] : memref<100096x16xf32, #tpu.memory_space<vmem_shared>> -> memref<100096x16xf32, #tpu.memory_space<vmem_shared>>
      tpu.enqueue_indirect_dma source(%arg12 : memref<512x16xf32, #tpu.memory_space<vmem>>) target(%dma_start3A_46 : memref<100096x16xf32, #tpu.memory_space<vmem_shared>>) offsets(%arg10 : memref<512xi32, #tpu.memory_space<vmem>>) semaphore(%arg17 : memref<!tpu.dma_semaphore, #tpu.memory_space<semaphore_mem>>) {add = true}
      %add3A_47 = arith.constant 1 : i32
      %add3A_48 = arith.addi %mul3A_30, %add3A_47 : i32
      %lt3A_49 = arith.constant 396 : i32
      %lt3A_50 = arith.cmpi slt, %add3A_48, %lt3A_49 : i32
      %convert_element_type3A_51 = arith.extui %lt3A_50 : i1 to i32
      %cond3A_52 = arith.constant 0 : i32
      %cond3A_53 = arith.cmpi ne, %convert_element_type3A_51, %cond3A_52 : i32
      scf.if %cond3A_53 {
        %dma_start3A_83 = arith.constant 0 : i32
        %dma_start3A_84 = arith.constant 0 : i32
        %dma_start3A_85 = tpu.memref_slice %arg4[%dma_start3A_83, %dma_start3A_84] : memref<100096x16xf32, #tpu.memory_space<hbm>> -> memref<100096x16xf32, #tpu.memory_space<hbm>>
        tpu.enqueue_indirect_dma source(%dma_start3A_85 : memref<100096x16xf32, #tpu.memory_space<hbm>>) target(%arg13 : memref<512x16xf32, #tpu.memory_space<vmem>>) offsets(%arg9 : memref<512xi32, #tpu.memory_space<vmem>>) semaphore(%arg16 : memref<!tpu.dma_semaphore, #tpu.memory_space<semaphore_mem>>)
      } else {
      }
      %mul3A_54 = arith.constant 2 : i32
      %mul3A_55 = arith.muli %mul3A_54, %scan3A_28 : i32
      %add3A_56 = arith.constant 1 : i32
      %add3A_57 = arith.addi %mul3A_55, %add3A_56 : i32
      %ge3A_58 = arith.constant 1 : i32
      %ge3A_59 = arith.cmpi sge, %add3A_57, %ge3A_58 : i32
      %convert_element_type3A_60 = arith.extui %ge3A_59 : i1 to i32
      %cond3A_61 = arith.constant 0 : i32
      %cond3A_62 = arith.cmpi ne, %convert_element_type3A_60, %cond3A_61 : i32
      scf.if %cond3A_62 {
        %dma_wait3A_83 = arith.constant 0 : i32
        %dma_wait3A_84 = arith.constant 0 : i32
        %dma_wait3A_85 = tpu.memref_slice %arg14[%dma_wait3A_83, %dma_wait3A_84] : memref<100096x16xf32, #tpu.memory_space<vmem_shared>> -> memref<100096x16xf32, #tpu.memory_space<vmem_shared>>
        tpu.wait_indirect_dma semaphore(%arg17 : memref<!tpu.dma_semaphore, #tpu.memory_space<semaphore_mem>>) src(%arg12 : memref<512x16xf32, #tpu.memory_space<vmem>>) dst(%dma_wait3A_85 : memref<100096x16xf32, #tpu.memory_space<vmem_shared>>)
      } else {
      }
      %add3A_63 = arith.constant 1 : i32
      %add3A_64 = arith.addi %add3A_57, %add3A_63 : i32
      %lt3A_65 = arith.constant 396 : i32
      %lt3A_66 = arith.cmpi slt, %add3A_64, %lt3A_65 : i32
      %convert_element_type3A_67 = arith.extui %lt3A_66 : i1 to i32
      %cond3A_68 = arith.constant 0 : i32
      %cond3A_69 = arith.cmpi ne, %convert_element_type3A_67, %cond3A_68 : i32
      scf.if %cond3A_69 {
        %add3A_83 = arith.constant 1 : i32
        %add3A_84 = arith.addi %add3A_57, %add3A_83 : i32
        %add3A_85 = arith.addi %mul3A_6, %add3A_84 : i32
        %mul3A_86 = arith.constant 512 : i32
        %mul3A_87 = arith.muli %add3A_85, %mul3A_86 : i32
        "tpu.region"() ({
          %run_scoped3A = tpu.sem_alloc : memref<!tpu.dma_semaphore, #tpu.memory_space<semaphore_mem>>
          %dma_start3A_88 = tpu.memref_slice %arg2[%mul3A_87] : memref<6488064xi32, #tpu.memory_space<hbm>> -> memref<512xi32, #tpu.memory_space<hbm>>
          %dma_start3A_89 = tpu.memref_slice %arg2[%mul3A_87] : memref<6488064xi32, #tpu.memory_space<hbm>> -> memref<512xi32, #tpu.memory_space<hbm>>
          tpu.enqueue_dma source(%dma_start3A_89 : memref<512xi32, #tpu.memory_space<hbm>>) target(%arg8 : memref<512xi32, #tpu.memory_space<vmem>>) target_semaphore(%run_scoped3A : memref<!tpu.dma_semaphore, #tpu.memory_space<semaphore_mem>>)
          %dma_wait3A_90 = tpu.memref_slice %arg2[%mul3A_87] : memref<6488064xi32, #tpu.memory_space<hbm>> -> memref<512xi32, #tpu.memory_space<hbm>>
          %dma_wait3A_91 = tpu.memref_slice %arg2[%mul3A_87] : memref<6488064xi32, #tpu.memory_space<hbm>> -> memref<512xi32, #tpu.memory_space<hbm>>
          tpu.wait_dma2 semaphore(%run_scoped3A : memref<!tpu.dma_semaphore, #tpu.memory_space<semaphore_mem>>) src(%dma_wait3A_91 : memref<512xi32, #tpu.memory_space<hbm>>) dst(%arg8 : memref<512xi32, #tpu.memory_space<vmem>>)
          tpu.yield
        }) : () -> ()
        "tpu.region"() ({
          %run_scoped3A = tpu.sem_alloc : memref<!tpu.dma_semaphore, #tpu.memory_space<semaphore_mem>>
          %dma_start3A_88 = tpu.memref_slice %arg3[%mul3A_87] : memref<6488064xi32, #tpu.memory_space<hbm>> -> memref<512xi32, #tpu.memory_space<hbm>>
          %dma_start3A_89 = tpu.memref_slice %arg3[%mul3A_87] : memref<6488064xi32, #tpu.memory_space<hbm>> -> memref<512xi32, #tpu.memory_space<hbm>>
          tpu.enqueue_dma source(%dma_start3A_89 : memref<512xi32, #tpu.memory_space<hbm>>) target(%arg10 : memref<512xi32, #tpu.memory_space<vmem>>) target_semaphore(%run_scoped3A : memref<!tpu.dma_semaphore, #tpu.memory_space<semaphore_mem>>)
          %dma_wait3A_90 = tpu.memref_slice %arg3[%mul3A_87] : memref<6488064xi32, #tpu.memory_space<hbm>> -> memref<512xi32, #tpu.memory_space<hbm>>
          %dma_wait3A_91 = tpu.memref_slice %arg3[%mul3A_87] : memref<6488064xi32, #tpu.memory_space<hbm>> -> memref<512xi32, #tpu.memory_space<hbm>>
          tpu.wait_dma2 semaphore(%run_scoped3A : memref<!tpu.dma_semaphore, #tpu.memory_space<semaphore_mem>>) src(%dma_wait3A_91 : memref<512xi32, #tpu.memory_space<hbm>>) dst(%arg10 : memref<512xi32, #tpu.memory_space<vmem>>)
          tpu.yield
        }) : () -> ()
      } else {
      }
      %dma_wait3A_70 = arith.constant 0 : i32
      %dma_wait3A_71 = arith.constant 0 : i32
      %dma_wait3A_72 = tpu.memref_slice %arg4[%dma_wait3A_70, %dma_wait3A_71] : memref<100096x16xf32, #tpu.memory_space<hbm>> -> memref<100096x16xf32, #tpu.memory_space<hbm>>
      tpu.wait_indirect_dma semaphore(%arg16 : memref<!tpu.dma_semaphore, #tpu.memory_space<semaphore_mem>>) src(%dma_wait3A_72 : memref<100096x16xf32, #tpu.memory_space<hbm>>) dst(%arg13 : memref<512x16xf32, #tpu.memory_space<vmem>>)
      %dma_start3A_73 = arith.constant 0 : i32
      %dma_start3A_74 = arith.constant 0 : i32
      %dma_start3A_75 = tpu.memref_slice %arg14[%dma_start3A_73, %dma_start3A_74] : memref<100096x16xf32, #tpu.memory_space<vmem_shared>> -> memref<100096x16xf32, #tpu.memory_space<vmem_shared>>
      tpu.enqueue_indirect_dma source(%arg13 : memref<512x16xf32, #tpu.memory_space<vmem>>) target(%dma_start3A_75 : memref<100096x16xf32, #tpu.memory_space<vmem_shared>>) offsets(%arg11 : memref<512xi32, #tpu.memory_space<vmem>>) semaphore(%arg18 : memref<!tpu.dma_semaphore, #tpu.memory_space<semaphore_mem>>) {add = true}
      %add3A_76 = arith.constant 1 : i32
      %add3A_77 = arith.addi %add3A_57, %add3A_76 : i32
      %lt3A_78 = arith.constant 396 : i32
      %lt3A_79 = arith.cmpi slt, %add3A_77, %lt3A_78 : i32
      %convert_element_type3A_80 = arith.extui %lt3A_79 : i1 to i32
      %cond3A_81 = arith.constant 0 : i32
      %cond3A_82 = arith.cmpi ne, %convert_element_type3A_80, %cond3A_81 : i32
      scf.if %cond3A_82 {
        %dma_start3A_83 = arith.constant 0 : i32
        %dma_start3A_84 = arith.constant 0 : i32
        %dma_start3A_85 = tpu.memref_slice %arg4[%dma_start3A_83, %dma_start3A_84] : memref<100096x16xf32, #tpu.memory_space<hbm>> -> memref<100096x16xf32, #tpu.memory_space<hbm>>
        tpu.enqueue_indirect_dma source(%dma_start3A_85 : memref<100096x16xf32, #tpu.memory_space<hbm>>) target(%arg12 : memref<512x16xf32, #tpu.memory_space<vmem>>) offsets(%arg8 : memref<512xi32, #tpu.memory_space<vmem>>) semaphore(%arg15 : memref<!tpu.dma_semaphore, #tpu.memory_space<semaphore_mem>>)
      } else {
      }
    }
    %scan3A_17 = arith.constant 198 : i32
    %dma_wait3A = arith.constant 0 : i32
    %dma_wait3A_18 = arith.constant 0 : i32
    %dma_wait3A_19 = tpu.memref_slice %arg14[%dma_wait3A, %dma_wait3A_18] : memref<100096x16xf32, #tpu.memory_space<vmem_shared>> -> memref<100096x16xf32, #tpu.memory_space<vmem_shared>>
    tpu.wait_indirect_dma semaphore(%arg18 : memref<!tpu.dma_semaphore, #tpu.memory_space<semaphore_mem>>) src(%arg13 : memref<512x16xf32, #tpu.memory_space<vmem>>) dst(%dma_wait3A_19 : memref<100096x16xf32, #tpu.memory_space<vmem_shared>>)
    %barrier3A_20 = arith.constant 0 : index
    tpu.barrier barrier_id(%barrier3A_20)
    %eq3A = arith.constant 0 : i32
    %eq3A_21 = arith.cmpi eq, %arg0, %eq3A : i32
    %convert_element_type3A = arith.extui %eq3A_21 : i1 to i32
    %cond3A = arith.constant 0 : i32
    %cond3A_22 = arith.cmpi ne, %convert_element_type3A, %cond3A : i32
    scf.if %cond3A_22 {
      %mul3A_28 = arith.constant 6256 : i32
      %mul3A_29 = arith.muli %arg1, %mul3A_28 : i32
      %mul3A_30 = arith.constant 6256 : i32
      %mul3A_31 = arith.muli %arg1, %mul3A_30 : i32
      "tpu.region"() ({
        %run_scoped3A = tpu.sem_alloc : memref<!tpu.dma_semaphore, #tpu.memory_space<semaphore_mem>>
        %dma_start3A_32 = arith.constant 0 : i32
        %dma_start3A_33 = tpu.memref_slice %arg6[%mul3A_31, %dma_start3A_32] : memref<100096x16xf32, #tpu.memory_space<hbm>> -> memref<6256x16xf32, #tpu.memory_space<hbm>>
        %dma_start3A_34 = arith.constant 0 : i32
        %dma_start3A_35 = tpu.memref_slice %arg14[%mul3A_29, %dma_start3A_34] : memref<100096x16xf32, #tpu.memory_space<vmem_shared>> -> memref<6256x16xf32, #tpu.memory_space<vmem_shared>>
        tpu.enqueue_dma source(%dma_start3A_35 : memref<6256x16xf32, #tpu.memory_space<vmem_shared>>) target(%dma_start3A_33 : memref<6256x16xf32, #tpu.memory_space<hbm>>) target_semaphore(%run_scoped3A : memref<!tpu.dma_semaphore, #tpu.memory_space<semaphore_mem>>)
        %dma_wait3A_36 = arith.constant 0 : i32
        %dma_wait3A_37 = tpu.memref_slice %arg6[%mul3A_31, %dma_wait3A_36] : memref<100096x16xf32, #tpu.memory_space<hbm>> -> memref<6256x16xf32, #tpu.memory_space<hbm>>
        %dma_wait3A_38 = arith.constant 0 : i32
        %dma_wait3A_39 = tpu.memref_slice %arg14[%mul3A_29, %dma_wait3A_38] : memref<100096x16xf32, #tpu.memory_space<vmem_shared>> -> memref<6256x16xf32, #tpu.memory_space<vmem_shared>>
        tpu.wait_dma2 semaphore(%run_scoped3A : memref<!tpu.dma_semaphore, #tpu.memory_space<semaphore_mem>>) src(%dma_wait3A_39 : memref<6256x16xf32, #tpu.memory_space<vmem_shared>>) dst(%dma_wait3A_37 : memref<6256x16xf32, #tpu.memory_space<hbm>>)
        tpu.yield
      }) : () -> ()
    } else {
    }
    %eq3A_23 = arith.constant 1 : i32
    %eq3A_24 = arith.cmpi eq, %arg0, %eq3A_23 : i32
    %convert_element_type3A_25 = arith.extui %eq3A_24 : i1 to i32
    %cond3A_26 = arith.constant 0 : i32
    %cond3A_27 = arith.cmpi ne, %convert_element_type3A_25, %cond3A_26 : i32
    scf.if %cond3A_27 {
      %mul3A_28 = arith.constant 6256 : i32
      %mul3A_29 = arith.muli %arg1, %mul3A_28 : i32
      %mul3A_30 = arith.constant 6256 : i32
      %mul3A_31 = arith.muli %arg1, %mul3A_30 : i32
      "tpu.region"() ({
        %run_scoped3A = tpu.sem_alloc : memref<!tpu.dma_semaphore, #tpu.memory_space<semaphore_mem>>
        %dma_start3A_32 = arith.constant 0 : i32
        %dma_start3A_33 = tpu.memref_slice %arg7[%mul3A_31, %dma_start3A_32] : memref<100096x16xf32, #tpu.memory_space<hbm>> -> memref<6256x16xf32, #tpu.memory_space<hbm>>
        %dma_start3A_34 = arith.constant 0 : i32
        %dma_start3A_35 = tpu.memref_slice %arg14[%mul3A_29, %dma_start3A_34] : memref<100096x16xf32, #tpu.memory_space<vmem_shared>> -> memref<6256x16xf32, #tpu.memory_space<vmem_shared>>
        tpu.enqueue_dma source(%dma_start3A_35 : memref<6256x16xf32, #tpu.memory_space<vmem_shared>>) target(%dma_start3A_33 : memref<6256x16xf32, #tpu.memory_space<hbm>>) target_semaphore(%run_scoped3A : memref<!tpu.dma_semaphore, #tpu.memory_space<semaphore_mem>>)
        %dma_wait3A_36 = arith.constant 0 : i32
        %dma_wait3A_37 = tpu.memref_slice %arg7[%mul3A_31, %dma_wait3A_36] : memref<100096x16xf32, #tpu.memory_space<hbm>> -> memref<6256x16xf32, #tpu.memory_space<hbm>>
        %dma_wait3A_38 = arith.constant 0 : i32
        %dma_wait3A_39 = tpu.memref_slice %arg14[%mul3A_29, %dma_wait3A_38] : memref<100096x16xf32, #tpu.memory_space<vmem_shared>> -> memref<6256x16xf32, #tpu.memory_space<vmem_shared>>
        tpu.wait_dma2 semaphore(%run_scoped3A : memref<!tpu.dma_semaphore, #tpu.memory_space<semaphore_mem>>) src(%dma_wait3A_39 : memref<6256x16xf32, #tpu.memory_space<vmem_shared>>) dst(%dma_wait3A_37 : memref<6256x16xf32, #tpu.memory_space<hbm>>)
        tpu.yield
      }) : () -> ()
    } else {
    }
    return
  }
}

#map = affine_map<(d0, d1) -> (0)>
#map1 = affine_map<(d0, d1) -> (0, 0)>
module attributes {stable_mosaic.version = 14 : i64} {
  func.func @body(%arg0: i32, %arg1: i32, %arg2: memref<6488064xi32, #tpu.memory_space<hbm>>, %arg3: memref<100096x16xf32, #tpu.memory_space<hbm>>, %arg4: memref<512x16xf32, #tpu.memory_space<hbm>>, %arg5: memref<100096x16xf32, #tpu.memory_space<hbm>>, %arg6: memref<100096x16xf32, #tpu.memory_space<hbm>>, %arg7: memref<512xi32, #tpu.memory_space<vmem>>, %arg8: memref<512xi32, #tpu.memory_space<vmem>>, %arg9: memref<512x16xf32, #tpu.memory_space<vmem>>, %arg10: memref<100096x16xf32, #tpu.memory_space<vmem_shared>>, %arg11: memref<!tpu.dma_semaphore, #tpu.memory_space<semaphore_mem>>, %arg12: memref<!tpu.dma_semaphore, #tpu.memory_space<semaphore_mem>>) attributes {dimension_semantics = [#tpu.dimension_semantics<core_parallel>, #tpu.dimension_semantics<subcore_parallel>], iteration_bounds = array<i64: 2, 16>, scalar_prefetch = 0 : i64, scratch_operands = 6 : i64, tpu.core_type = #tpu.core_type<sc_vector_subcore>, window_params = [{transform_indices = #map}, {transform_indices = #map1}, {transform_indices = #map1}, {transform_indices = #map1}, {transform_indices = #map1}]} {
    %mul3A = arith.constant 6256 : i32
    %mul3A_0 = arith.muli %arg1, %mul3A : i32
    %mul3A_1 = arith.constant 6256 : i32
    %mul3A_2 = arith.muli %arg1, %mul3A_1 : i32
    "tpu.region"() ({
      %run_scoped3A = tpu.sem_alloc : memref<!tpu.dma_semaphore, #tpu.memory_space<semaphore_mem>>
      %dma_start3A = arith.constant 0 : i32
      %dma_start3A_25 = tpu.memref_slice %arg10[%mul3A_2, %dma_start3A] : memref<100096x16xf32, #tpu.memory_space<vmem_shared>> -> memref<6256x16xf32, #tpu.memory_space<vmem_shared>>
      %dma_start3A_26 = arith.constant 0 : i32
      %dma_start3A_27 = tpu.memref_slice %arg3[%mul3A_0, %dma_start3A_26] : memref<100096x16xf32, #tpu.memory_space<hbm>> -> memref<6256x16xf32, #tpu.memory_space<hbm>>
      tpu.enqueue_dma source(%dma_start3A_27 : memref<6256x16xf32, #tpu.memory_space<hbm>>) target(%dma_start3A_25 : memref<6256x16xf32, #tpu.memory_space<vmem_shared>>) target_semaphore(%run_scoped3A : memref<!tpu.dma_semaphore, #tpu.memory_space<semaphore_mem>>)
      %dma_wait3A_28 = arith.constant 0 : i32
      %dma_wait3A_29 = tpu.memref_slice %arg10[%mul3A_2, %dma_wait3A_28] : memref<100096x16xf32, #tpu.memory_space<vmem_shared>> -> memref<6256x16xf32, #tpu.memory_space<vmem_shared>>
      %dma_wait3A_30 = arith.constant 0 : i32
      %dma_wait3A_31 = tpu.memref_slice %arg3[%mul3A_0, %dma_wait3A_30] : memref<100096x16xf32, #tpu.memory_space<hbm>> -> memref<6256x16xf32, #tpu.memory_space<hbm>>
      tpu.wait_dma2 semaphore(%run_scoped3A : memref<!tpu.dma_semaphore, #tpu.memory_space<semaphore_mem>>) src(%dma_wait3A_31 : memref<6256x16xf32, #tpu.memory_space<hbm>>) dst(%dma_wait3A_29 : memref<6256x16xf32, #tpu.memory_space<vmem_shared>>)
      tpu.yield
    }) : () -> ()
    "tpu.region"() ({
      %run_scoped3A = tpu.sem_alloc : memref<!tpu.dma_semaphore, #tpu.memory_space<semaphore_mem>>
      tpu.enqueue_dma source(%arg4 : memref<512x16xf32, #tpu.memory_space<hbm>>) target(%arg9 : memref<512x16xf32, #tpu.memory_space<vmem>>) target_semaphore(%run_scoped3A : memref<!tpu.dma_semaphore, #tpu.memory_space<semaphore_mem>>)
      tpu.wait_dma2 semaphore(%run_scoped3A : memref<!tpu.dma_semaphore, #tpu.memory_space<semaphore_mem>>) src(%arg4 : memref<512x16xf32, #tpu.memory_space<hbm>>) dst(%arg9 : memref<512x16xf32, #tpu.memory_space<vmem>>)
      tpu.yield
    }) : () -> ()
    %barrier3A = arith.constant 0 : index
    tpu.barrier barrier_id(%barrier3A)
    %mul3A_3 = arith.constant 16 : i32
    %mul3A_4 = arith.muli %arg0, %mul3A_3 : i32
    %add3A = arith.addi %mul3A_4, %arg1 : i32
    %mul3A_5 = arith.constant 396 : i32
    %mul3A_6 = arith.muli %add3A, %mul3A_5 : i32
    %scan3A = arith.constant 0 : i32
    %scan3A_7 = arith.constant 0 : i32
    %scan3A_8 = arith.constant 198 : i32
    %scan3A_9 = arith.addi %scan3A_7, %scan3A_8 : i32
    %scan3A_10 = arith.constant 1 : i32
    scf.for %scan3A_25 = %scan3A_7 to %scan3A_9 step %scan3A_10  : i32 {
      %mul3A_26 = arith.constant 2 : i32
      %mul3A_27 = arith.muli %mul3A_26, %scan3A_25 : i32
      %ge3A = arith.constant 2 : i32
      %ge3A_28 = arith.cmpi sge, %mul3A_27, %ge3A : i32
      %convert_element_type3A_29 = arith.extui %ge3A_28 : i1 to i32
      %cond3A_30 = arith.constant 0 : i32
      %cond3A_31 = arith.cmpi ne, %convert_element_type3A_29, %cond3A_30 : i32
      scf.if %cond3A_31 {
        %dma_wait3A_52 = arith.constant 0 : i32
        %dma_wait3A_53 = arith.constant 0 : i32
        %dma_wait3A_54 = tpu.memref_slice %arg10[%dma_wait3A_52, %dma_wait3A_53] : memref<100096x16xf32, #tpu.memory_space<vmem_shared>> -> memref<100096x16xf32, #tpu.memory_space<vmem_shared>>
        tpu.wait_indirect_dma semaphore(%arg11 : memref<!tpu.dma_semaphore, #tpu.memory_space<semaphore_mem>>) src(%arg9 : memref<512x16xf32, #tpu.memory_space<vmem>>) dst(%dma_wait3A_54 : memref<100096x16xf32, #tpu.memory_space<vmem_shared>>)
      } else {
      }
      %add3A_32 = arith.addi %mul3A_6, %mul3A_27 : i32
      %mul3A_33 = arith.constant 512 : i32
      %mul3A_34 = arith.muli %add3A_32, %mul3A_33 : i32
      "tpu.region"() ({
        %run_scoped3A = tpu.sem_alloc : memref<!tpu.dma_semaphore, #tpu.memory_space<semaphore_mem>>
        %dma_start3A_52 = tpu.memref_slice %arg2[%mul3A_34] : memref<6488064xi32, #tpu.memory_space<hbm>> -> memref<512xi32, #tpu.memory_space<hbm>>
        %dma_start3A_53 = tpu.memref_slice %arg2[%mul3A_34] : memref<6488064xi32, #tpu.memory_space<hbm>> -> memref<512xi32, #tpu.memory_space<hbm>>
        tpu.enqueue_dma source(%dma_start3A_53 : memref<512xi32, #tpu.memory_space<hbm>>) target(%arg7 : memref<512xi32, #tpu.memory_space<vmem>>) target_semaphore(%run_scoped3A : memref<!tpu.dma_semaphore, #tpu.memory_space<semaphore_mem>>)
        %dma_wait3A_54 = tpu.memref_slice %arg2[%mul3A_34] : memref<6488064xi32, #tpu.memory_space<hbm>> -> memref<512xi32, #tpu.memory_space<hbm>>
        %dma_wait3A_55 = tpu.memref_slice %arg2[%mul3A_34] : memref<6488064xi32, #tpu.memory_space<hbm>> -> memref<512xi32, #tpu.memory_space<hbm>>
        tpu.wait_dma2 semaphore(%run_scoped3A : memref<!tpu.dma_semaphore, #tpu.memory_space<semaphore_mem>>) src(%dma_wait3A_55 : memref<512xi32, #tpu.memory_space<hbm>>) dst(%arg7 : memref<512xi32, #tpu.memory_space<vmem>>)
        tpu.yield
      }) : () -> ()
      %dma_start3A = arith.constant 0 : i32
      %dma_start3A_35 = arith.constant 0 : i32
      %dma_start3A_36 = tpu.memref_slice %arg10[%dma_start3A, %dma_start3A_35] : memref<100096x16xf32, #tpu.memory_space<vmem_shared>> -> memref<100096x16xf32, #tpu.memory_space<vmem_shared>>
      tpu.enqueue_indirect_dma source(%arg9 : memref<512x16xf32, #tpu.memory_space<vmem>>) target(%dma_start3A_36 : memref<100096x16xf32, #tpu.memory_space<vmem_shared>>) offsets(%arg7 : memref<512xi32, #tpu.memory_space<vmem>>) semaphore(%arg11 : memref<!tpu.dma_semaphore, #tpu.memory_space<semaphore_mem>>) {add = true}
      %mul3A_37 = arith.constant 2 : i32
      %mul3A_38 = arith.muli %mul3A_37, %scan3A_25 : i32
      %add3A_39 = arith.constant 1 : i32
      %add3A_40 = arith.addi %mul3A_38, %add3A_39 : i32
      %ge3A_41 = arith.constant 2 : i32
      %ge3A_42 = arith.cmpi sge, %add3A_40, %ge3A_41 : i32
      %convert_element_type3A_43 = arith.extui %ge3A_42 : i1 to i32
      %cond3A_44 = arith.constant 0 : i32
      %cond3A_45 = arith.cmpi ne, %convert_element_type3A_43, %cond3A_44 : i32
      scf.if %cond3A_45 {
        %dma_wait3A_52 = arith.constant 0 : i32
        %dma_wait3A_53 = arith.constant 0 : i32
        %dma_wait3A_54 = tpu.memref_slice %arg10[%dma_wait3A_52, %dma_wait3A_53] : memref<100096x16xf32, #tpu.memory_space<vmem_shared>> -> memref<100096x16xf32, #tpu.memory_space<vmem_shared>>
        tpu.wait_indirect_dma semaphore(%arg12 : memref<!tpu.dma_semaphore, #tpu.memory_space<semaphore_mem>>) src(%arg9 : memref<512x16xf32, #tpu.memory_space<vmem>>) dst(%dma_wait3A_54 : memref<100096x16xf32, #tpu.memory_space<vmem_shared>>)
      } else {
      }
      %add3A_46 = arith.addi %mul3A_6, %add3A_40 : i32
      %mul3A_47 = arith.constant 512 : i32
      %mul3A_48 = arith.muli %add3A_46, %mul3A_47 : i32
      "tpu.region"() ({
        %run_scoped3A = tpu.sem_alloc : memref<!tpu.dma_semaphore, #tpu.memory_space<semaphore_mem>>
        %dma_start3A_52 = tpu.memref_slice %arg2[%mul3A_48] : memref<6488064xi32, #tpu.memory_space<hbm>> -> memref<512xi32, #tpu.memory_space<hbm>>
        %dma_start3A_53 = tpu.memref_slice %arg2[%mul3A_48] : memref<6488064xi32, #tpu.memory_space<hbm>> -> memref<512xi32, #tpu.memory_space<hbm>>
        tpu.enqueue_dma source(%dma_start3A_53 : memref<512xi32, #tpu.memory_space<hbm>>) target(%arg8 : memref<512xi32, #tpu.memory_space<vmem>>) target_semaphore(%run_scoped3A : memref<!tpu.dma_semaphore, #tpu.memory_space<semaphore_mem>>)
        %dma_wait3A_54 = tpu.memref_slice %arg2[%mul3A_48] : memref<6488064xi32, #tpu.memory_space<hbm>> -> memref<512xi32, #tpu.memory_space<hbm>>
        %dma_wait3A_55 = tpu.memref_slice %arg2[%mul3A_48] : memref<6488064xi32, #tpu.memory_space<hbm>> -> memref<512xi32, #tpu.memory_space<hbm>>
        tpu.wait_dma2 semaphore(%run_scoped3A : memref<!tpu.dma_semaphore, #tpu.memory_space<semaphore_mem>>) src(%dma_wait3A_55 : memref<512xi32, #tpu.memory_space<hbm>>) dst(%arg8 : memref<512xi32, #tpu.memory_space<vmem>>)
        tpu.yield
      }) : () -> ()
      %dma_start3A_49 = arith.constant 0 : i32
      %dma_start3A_50 = arith.constant 0 : i32
      %dma_start3A_51 = tpu.memref_slice %arg10[%dma_start3A_49, %dma_start3A_50] : memref<100096x16xf32, #tpu.memory_space<vmem_shared>> -> memref<100096x16xf32, #tpu.memory_space<vmem_shared>>
      tpu.enqueue_indirect_dma source(%arg9 : memref<512x16xf32, #tpu.memory_space<vmem>>) target(%dma_start3A_51 : memref<100096x16xf32, #tpu.memory_space<vmem_shared>>) offsets(%arg8 : memref<512xi32, #tpu.memory_space<vmem>>) semaphore(%arg12 : memref<!tpu.dma_semaphore, #tpu.memory_space<semaphore_mem>>) {add = true}
    }
    %scan3A_11 = arith.constant 198 : i32
    %dma_wait3A = arith.constant 0 : i32
    %dma_wait3A_12 = arith.constant 0 : i32
    %dma_wait3A_13 = tpu.memref_slice %arg10[%dma_wait3A, %dma_wait3A_12] : memref<100096x16xf32, #tpu.memory_space<vmem_shared>> -> memref<100096x16xf32, #tpu.memory_space<vmem_shared>>
    tpu.wait_indirect_dma semaphore(%arg11 : memref<!tpu.dma_semaphore, #tpu.memory_space<semaphore_mem>>) src(%arg9 : memref<512x16xf32, #tpu.memory_space<vmem>>) dst(%dma_wait3A_13 : memref<100096x16xf32, #tpu.memory_space<vmem_shared>>)
    %dma_wait3A_14 = arith.constant 0 : i32
    %dma_wait3A_15 = arith.constant 0 : i32
    %dma_wait3A_16 = tpu.memref_slice %arg10[%dma_wait3A_14, %dma_wait3A_15] : memref<100096x16xf32, #tpu.memory_space<vmem_shared>> -> memref<100096x16xf32, #tpu.memory_space<vmem_shared>>
    tpu.wait_indirect_dma semaphore(%arg12 : memref<!tpu.dma_semaphore, #tpu.memory_space<semaphore_mem>>) src(%arg9 : memref<512x16xf32, #tpu.memory_space<vmem>>) dst(%dma_wait3A_16 : memref<100096x16xf32, #tpu.memory_space<vmem_shared>>)
    %barrier3A_17 = arith.constant 0 : index
    tpu.barrier barrier_id(%barrier3A_17)
    %eq3A = arith.constant 0 : i32
    %eq3A_18 = arith.cmpi eq, %arg0, %eq3A : i32
    %convert_element_type3A = arith.extui %eq3A_18 : i1 to i32
    %cond3A = arith.constant 0 : i32
    %cond3A_19 = arith.cmpi ne, %convert_element_type3A, %cond3A : i32
    scf.if %cond3A_19 {
      %mul3A_25 = arith.constant 6256 : i32
      %mul3A_26 = arith.muli %arg1, %mul3A_25 : i32
      %mul3A_27 = arith.constant 6256 : i32
      %mul3A_28 = arith.muli %arg1, %mul3A_27 : i32
      "tpu.region"() ({
        %run_scoped3A = tpu.sem_alloc : memref<!tpu.dma_semaphore, #tpu.memory_space<semaphore_mem>>
        %dma_start3A = arith.constant 0 : i32
        %dma_start3A_29 = tpu.memref_slice %arg5[%mul3A_28, %dma_start3A] : memref<100096x16xf32, #tpu.memory_space<hbm>> -> memref<6256x16xf32, #tpu.memory_space<hbm>>
        %dma_start3A_30 = arith.constant 0 : i32
        %dma_start3A_31 = tpu.memref_slice %arg10[%mul3A_26, %dma_start3A_30] : memref<100096x16xf32, #tpu.memory_space<vmem_shared>> -> memref<6256x16xf32, #tpu.memory_space<vmem_shared>>
        tpu.enqueue_dma source(%dma_start3A_31 : memref<6256x16xf32, #tpu.memory_space<vmem_shared>>) target(%dma_start3A_29 : memref<6256x16xf32, #tpu.memory_space<hbm>>) target_semaphore(%run_scoped3A : memref<!tpu.dma_semaphore, #tpu.memory_space<semaphore_mem>>)
        %dma_wait3A_32 = arith.constant 0 : i32
        %dma_wait3A_33 = tpu.memref_slice %arg5[%mul3A_28, %dma_wait3A_32] : memref<100096x16xf32, #tpu.memory_space<hbm>> -> memref<6256x16xf32, #tpu.memory_space<hbm>>
        %dma_wait3A_34 = arith.constant 0 : i32
        %dma_wait3A_35 = tpu.memref_slice %arg10[%mul3A_26, %dma_wait3A_34] : memref<100096x16xf32, #tpu.memory_space<vmem_shared>> -> memref<6256x16xf32, #tpu.memory_space<vmem_shared>>
        tpu.wait_dma2 semaphore(%run_scoped3A : memref<!tpu.dma_semaphore, #tpu.memory_space<semaphore_mem>>) src(%dma_wait3A_35 : memref<6256x16xf32, #tpu.memory_space<vmem_shared>>) dst(%dma_wait3A_33 : memref<6256x16xf32, #tpu.memory_space<hbm>>)
        tpu.yield
      }) : () -> ()
    } else {
    }
    %eq3A_20 = arith.constant 1 : i32
    %eq3A_21 = arith.cmpi eq, %arg0, %eq3A_20 : i32
    %convert_element_type3A_22 = arith.extui %eq3A_21 : i1 to i32
    %cond3A_23 = arith.constant 0 : i32
    %cond3A_24 = arith.cmpi ne, %convert_element_type3A_22, %cond3A_23 : i32
    scf.if %cond3A_24 {
      %mul3A_25 = arith.constant 6256 : i32
      %mul3A_26 = arith.muli %arg1, %mul3A_25 : i32
      %mul3A_27 = arith.constant 6256 : i32
      %mul3A_28 = arith.muli %arg1, %mul3A_27 : i32
      "tpu.region"() ({
        %run_scoped3A = tpu.sem_alloc : memref<!tpu.dma_semaphore, #tpu.memory_space<semaphore_mem>>
        %dma_start3A = arith.constant 0 : i32
        %dma_start3A_29 = tpu.memref_slice %arg6[%mul3A_28, %dma_start3A] : memref<100096x16xf32, #tpu.memory_space<hbm>> -> memref<6256x16xf32, #tpu.memory_space<hbm>>
        %dma_start3A_30 = arith.constant 0 : i32
        %dma_start3A_31 = tpu.memref_slice %arg10[%mul3A_26, %dma_start3A_30] : memref<100096x16xf32, #tpu.memory_space<vmem_shared>> -> memref<6256x16xf32, #tpu.memory_space<vmem_shared>>
        tpu.enqueue_dma source(%dma_start3A_31 : memref<6256x16xf32, #tpu.memory_space<vmem_shared>>) target(%dma_start3A_29 : memref<6256x16xf32, #tpu.memory_space<hbm>>) target_semaphore(%run_scoped3A : memref<!tpu.dma_semaphore, #tpu.memory_space<semaphore_mem>>)
        %dma_wait3A_32 = arith.constant 0 : i32
        %dma_wait3A_33 = tpu.memref_slice %arg6[%mul3A_28, %dma_wait3A_32] : memref<100096x16xf32, #tpu.memory_space<hbm>> -> memref<6256x16xf32, #tpu.memory_space<hbm>>
        %dma_wait3A_34 = arith.constant 0 : i32
        %dma_wait3A_35 = tpu.memref_slice %arg10[%mul3A_26, %dma_wait3A_34] : memref<100096x16xf32, #tpu.memory_space<vmem_shared>> -> memref<6256x16xf32, #tpu.memory_space<vmem_shared>>
        tpu.wait_dma2 semaphore(%run_scoped3A : memref<!tpu.dma_semaphore, #tpu.memory_space<semaphore_mem>>) src(%dma_wait3A_35 : memref<6256x16xf32, #tpu.memory_space<vmem_shared>>) dst(%dma_wait3A_33 : memref<6256x16xf32, #tpu.memory_space<hbm>>)
        tpu.yield
      }) : () -> ()
    } else {
    }
    return
  }
}

#map = affine_map<(d0, d1) -> (0)>
#map1 = affine_map<(d0, d1) -> (0, 0)>
module attributes {stable_mosaic.version = 14 : i64} {
  func.func @body(%arg0: i32, %arg1: i32, %arg2: memref<6488064xi32, #tpu.memory_space<hbm>>, %arg3: memref<6488064xi32, #tpu.memory_space<hbm>>, %arg4: memref<100096x16xf32, #tpu.memory_space<hbm>>, %arg5: memref<100096x16xf32, #tpu.memory_space<hbm>>, %arg6: memref<100096x16xf32, #tpu.memory_space<hbm>>, %arg7: memref<100096x16xf32, #tpu.memory_space<hbm>>, %arg8: memref<512xi32, #tpu.memory_space<vmem>>, %arg9: memref<512xi32, #tpu.memory_space<vmem>>, %arg10: memref<512xi32, #tpu.memory_space<vmem>>, %arg11: memref<512xi32, #tpu.memory_space<vmem>>, %arg12: memref<512x16xf32, #tpu.memory_space<vmem>>, %arg13: memref<512x16xf32, #tpu.memory_space<vmem>>, %arg14: memref<100096x16xf32, #tpu.memory_space<vmem_shared>>, %arg15: memref<!tpu.dma_semaphore, #tpu.memory_space<semaphore_mem>>, %arg16: memref<!tpu.dma_semaphore, #tpu.memory_space<semaphore_mem>>, %arg17: memref<!tpu.dma_semaphore, #tpu.memory_space<semaphore_mem>>, %arg18: memref<!tpu.dma_semaphore, #tpu.memory_space<semaphore_mem>>) attributes {dimension_semantics = [#tpu.dimension_semantics<core_parallel>, #tpu.dimension_semantics<subcore_parallel>], iteration_bounds = array<i64: 2, 16>, scalar_prefetch = 0 : i64, scratch_operands = 11 : i64, tpu.core_type = #tpu.core_type<sc_vector_subcore>, window_params = [{transform_indices = #map}, {transform_indices = #map}, {transform_indices = #map1}, {transform_indices = #map1}, {transform_indices = #map1}, {transform_indices = #map1}]} {
    %mul3A = arith.constant 6256 : i32
    %mul3A_0 = arith.muli %arg1, %mul3A : i32
    %mul3A_1 = arith.constant 6256 : i32
    %mul3A_2 = arith.muli %arg1, %mul3A_1 : i32
    "tpu.region"() ({
      %run_scoped3A = tpu.sem_alloc : memref<!tpu.dma_semaphore, #tpu.memory_space<semaphore_mem>>
      %dma_start3A_28 = arith.constant 0 : i32
      %dma_start3A_29 = tpu.memref_slice %arg14[%mul3A_2, %dma_start3A_28] : memref<100096x16xf32, #tpu.memory_space<vmem_shared>> -> memref<6256x16xf32, #tpu.memory_space<vmem_shared>>
      %dma_start3A_30 = arith.constant 0 : i32
      %dma_start3A_31 = tpu.memref_slice %arg5[%mul3A_0, %dma_start3A_30] : memref<100096x16xf32, #tpu.memory_space<hbm>> -> memref<6256x16xf32, #tpu.memory_space<hbm>>
      tpu.enqueue_dma source(%dma_start3A_31 : memref<6256x16xf32, #tpu.memory_space<hbm>>) target(%dma_start3A_29 : memref<6256x16xf32, #tpu.memory_space<vmem_shared>>) target_semaphore(%run_scoped3A : memref<!tpu.dma_semaphore, #tpu.memory_space<semaphore_mem>>)
      %dma_wait3A_32 = arith.constant 0 : i32
      %dma_wait3A_33 = tpu.memref_slice %arg14[%mul3A_2, %dma_wait3A_32] : memref<100096x16xf32, #tpu.memory_space<vmem_shared>> -> memref<6256x16xf32, #tpu.memory_space<vmem_shared>>
      %dma_wait3A_34 = arith.constant 0 : i32
      %dma_wait3A_35 = tpu.memref_slice %arg5[%mul3A_0, %dma_wait3A_34] : memref<100096x16xf32, #tpu.memory_space<hbm>> -> memref<6256x16xf32, #tpu.memory_space<hbm>>
      tpu.wait_dma2 semaphore(%run_scoped3A : memref<!tpu.dma_semaphore, #tpu.memory_space<semaphore_mem>>) src(%dma_wait3A_35 : memref<6256x16xf32, #tpu.memory_space<hbm>>) dst(%dma_wait3A_33 : memref<6256x16xf32, #tpu.memory_space<vmem_shared>>)
      tpu.yield
    }) : () -> ()
    %barrier3A = arith.constant 0 : index
    tpu.barrier barrier_id(%barrier3A)
    %mul3A_3 = arith.constant 16 : i32
    %mul3A_4 = arith.muli %arg0, %mul3A_3 : i32
    %add3A = arith.addi %mul3A_4, %arg1 : i32
    %mul3A_5 = arith.constant 396 : i32
    %mul3A_6 = arith.muli %add3A, %mul3A_5 : i32
    %add3A_7 = arith.constant 0 : i32
    %add3A_8 = arith.addi %mul3A_6, %add3A_7 : i32
    %mul3A_9 = arith.constant 512 : i32
    %mul3A_10 = arith.muli %add3A_8, %mul3A_9 : i32
    "tpu.region"() ({
      %run_scoped3A = tpu.sem_alloc : memref<!tpu.dma_semaphore, #tpu.memory_space<semaphore_mem>>
      %dma_start3A_28 = tpu.memref_slice %arg2[%mul3A_10] : memref<6488064xi32, #tpu.memory_space<hbm>> -> memref<512xi32, #tpu.memory_space<hbm>>
      %dma_start3A_29 = tpu.memref_slice %arg2[%mul3A_10] : memref<6488064xi32, #tpu.memory_space<hbm>> -> memref<512xi32, #tpu.memory_space<hbm>>
      tpu.enqueue_dma source(%dma_start3A_29 : memref<512xi32, #tpu.memory_space<hbm>>) target(%arg8 : memref<512xi32, #tpu.memory_space<vmem>>) target_semaphore(%run_scoped3A : memref<!tpu.dma_semaphore, #tpu.memory_space<semaphore_mem>>)
      %dma_wait3A_30 = tpu.memref_slice %arg2[%mul3A_10] : memref<6488064xi32, #tpu.memory_space<hbm>> -> memref<512xi32, #tpu.memory_space<hbm>>
      %dma_wait3A_31 = tpu.memref_slice %arg2[%mul3A_10] : memref<6488064xi32, #tpu.memory_space<hbm>> -> memref<512xi32, #tpu.memory_space<hbm>>
      tpu.wait_dma2 semaphore(%run_scoped3A : memref<!tpu.dma_semaphore, #tpu.memory_space<semaphore_mem>>) src(%dma_wait3A_31 : memref<512xi32, #tpu.memory_space<hbm>>) dst(%arg8 : memref<512xi32, #tpu.memory_space<vmem>>)
      tpu.yield
    }) : () -> ()
    "tpu.region"() ({
      %run_scoped3A = tpu.sem_alloc : memref<!tpu.dma_semaphore, #tpu.memory_space<semaphore_mem>>
      %dma_start3A_28 = tpu.memref_slice %arg3[%mul3A_10] : memref<6488064xi32, #tpu.memory_space<hbm>> -> memref<512xi32, #tpu.memory_space<hbm>>
      %dma_start3A_29 = tpu.memref_slice %arg3[%mul3A_10] : memref<6488064xi32, #tpu.memory_space<hbm>> -> memref<512xi32, #tpu.memory_space<hbm>>
      tpu.enqueue_dma source(%dma_start3A_29 : memref<512xi32, #tpu.memory_space<hbm>>) target(%arg10 : memref<512xi32, #tpu.memory_space<vmem>>) target_semaphore(%run_scoped3A : memref<!tpu.dma_semaphore, #tpu.memory_space<semaphore_mem>>)
      %dma_wait3A_30 = tpu.memref_slice %arg3[%mul3A_10] : memref<6488064xi32, #tpu.memory_space<hbm>> -> memref<512xi32, #tpu.memory_space<hbm>>
      %dma_wait3A_31 = tpu.memref_slice %arg3[%mul3A_10] : memref<6488064xi32, #tpu.memory_space<hbm>> -> memref<512xi32, #tpu.memory_space<hbm>>
      tpu.wait_dma2 semaphore(%run_scoped3A : memref<!tpu.dma_semaphore, #tpu.memory_space<semaphore_mem>>) src(%dma_wait3A_31 : memref<512xi32, #tpu.memory_space<hbm>>) dst(%arg10 : memref<512xi32, #tpu.memory_space<vmem>>)
      tpu.yield
    }) : () -> ()
    %dma_start3A = arith.constant 0 : i32
    %dma_start3A_11 = arith.constant 0 : i32
    %dma_start3A_12 = tpu.memref_slice %arg4[%dma_start3A, %dma_start3A_11] : memref<100096x16xf32, #tpu.memory_space<hbm>> -> memref<100096x16xf32, #tpu.memory_space<hbm>>
    tpu.enqueue_indirect_dma source(%dma_start3A_12 : memref<100096x16xf32, #tpu.memory_space<hbm>>) target(%arg12 : memref<512x16xf32, #tpu.memory_space<vmem>>) offsets(%arg8 : memref<512xi32, #tpu.memory_space<vmem>>) semaphore(%arg15 : memref<!tpu.dma_semaphore, #tpu.memory_space<semaphore_mem>>)
    %scan3A = arith.constant 0 : i32
    %scan3A_13 = arith.constant 0 : i32
    %scan3A_14 = arith.constant 198 : i32
    %scan3A_15 = arith.addi %scan3A_13, %scan3A_14 : i32
    %scan3A_16 = arith.constant 1 : i32
    scf.for %scan3A_28 = %scan3A_13 to %scan3A_15 step %scan3A_16  : i32 {
      %mul3A_29 = arith.constant 2 : i32
      %mul3A_30 = arith.muli %mul3A_29, %scan3A_28 : i32
      %ge3A = arith.constant 1 : i32
      %ge3A_31 = arith.cmpi sge, %mul3A_30, %ge3A : i32
      %convert_element_type3A_32 = arith.extui %ge3A_31 : i1 to i32
      %cond3A_33 = arith.constant 0 : i32
      %cond3A_34 = arith.cmpi ne, %convert_element_type3A_32, %cond3A_33 : i32
      scf.if %cond3A_34 {
        %dma_wait3A_83 = arith.constant 0 : i32
        %dma_wait3A_84 = arith.constant 0 : i32
        %dma_wait3A_85 = tpu.memref_slice %arg14[%dma_wait3A_83, %dma_wait3A_84] : memref<100096x16xf32, #tpu.memory_space<vmem_shared>> -> memref<100096x16xf32, #tpu.memory_space<vmem_shared>>
        tpu.wait_indirect_dma semaphore(%arg18 : memref<!tpu.dma_semaphore, #tpu.memory_space<semaphore_mem>>) src(%arg13 : memref<512x16xf32, #tpu.memory_space<vmem>>) dst(%dma_wait3A_85 : memref<100096x16xf32, #tpu.memory_space<vmem_shared>>)
      } else {
      }
      %add3A_35 = arith.constant 1 : i32
      %add3A_36 = arith.addi %mul3A_30, %add3A_35 : i32
      %lt3A = arith.constant 396 : i32
      %lt3A_37 = arith.cmpi slt, %add3A_36, %lt3A : i32
      %convert_element_type3A_38 = arith.extui %lt3A_37 : i1 to i32
      %cond3A_39 = arith.constant 0 : i32
      %cond3A_40 = arith.cmpi ne, %convert_element_type3A_38, %cond3A_39 : i32
      scf.if %cond3A_40 {
        %add3A_83 = arith.constant 1 : i32
        %add3A_84 = arith.addi %mul3A_30, %add3A_83 : i32
        %add3A_85 = arith.addi %mul3A_6, %add3A_84 : i32
        %mul3A_86 = arith.constant 512 : i32
        %mul3A_87 = arith.muli %add3A_85, %mul3A_86 : i32
        "tpu.region"() ({
          %run_scoped3A = tpu.sem_alloc : memref<!tpu.dma_semaphore, #tpu.memory_space<semaphore_mem>>
          %dma_start3A_88 = tpu.memref_slice %arg2[%mul3A_87] : memref<6488064xi32, #tpu.memory_space<hbm>> -> memref<512xi32, #tpu.memory_space<hbm>>
          %dma_start3A_89 = tpu.memref_slice %arg2[%mul3A_87] : memref<6488064xi32, #tpu.memory_space<hbm>> -> memref<512xi32, #tpu.memory_space<hbm>>
          tpu.enqueue_dma source(%dma_start3A_89 : memref<512xi32, #tpu.memory_space<hbm>>) target(%arg9 : memref<512xi32, #tpu.memory_space<vmem>>) target_semaphore(%run_scoped3A : memref<!tpu.dma_semaphore, #tpu.memory_space<semaphore_mem>>)
          %dma_wait3A_90 = tpu.memref_slice %arg2[%mul3A_87] : memref<6488064xi32, #tpu.memory_space<hbm>> -> memref<512xi32, #tpu.memory_space<hbm>>
          %dma_wait3A_91 = tpu.memref_slice %arg2[%mul3A_87] : memref<6488064xi32, #tpu.memory_space<hbm>> -> memref<512xi32, #tpu.memory_space<hbm>>
          tpu.wait_dma2 semaphore(%run_scoped3A : memref<!tpu.dma_semaphore, #tpu.memory_space<semaphore_mem>>) src(%dma_wait3A_91 : memref<512xi32, #tpu.memory_space<hbm>>) dst(%arg9 : memref<512xi32, #tpu.memory_space<vmem>>)
          tpu.yield
        }) : () -> ()
        "tpu.region"() ({
          %run_scoped3A = tpu.sem_alloc : memref<!tpu.dma_semaphore, #tpu.memory_space<semaphore_mem>>
          %dma_start3A_88 = tpu.memref_slice %arg3[%mul3A_87] : memref<6488064xi32, #tpu.memory_space<hbm>> -> memref<512xi32, #tpu.memory_space<hbm>>
          %dma_start3A_89 = tpu.memref_slice %arg3[%mul3A_87] : memref<6488064xi32, #tpu.memory_space<hbm>> -> memref<512xi32, #tpu.memory_space<hbm>>
          tpu.enqueue_dma source(%dma_start3A_89 : memref<512xi32, #tpu.memory_space<hbm>>) target(%arg11 : memref<512xi32, #tpu.memory_space<vmem>>) target_semaphore(%run_scoped3A : memref<!tpu.dma_semaphore, #tpu.memory_space<semaphore_mem>>)
          %dma_wait3A_90 = tpu.memref_slice %arg3[%mul3A_87] : memref<6488064xi32, #tpu.memory_space<hbm>> -> memref<512xi32, #tpu.memory_space<hbm>>
          %dma_wait3A_91 = tpu.memref_slice %arg3[%mul3A_87] : memref<6488064xi32, #tpu.memory_space<hbm>> -> memref<512xi32, #tpu.memory_space<hbm>>
          tpu.wait_dma2 semaphore(%run_scoped3A : memref<!tpu.dma_semaphore, #tpu.memory_space<semaphore_mem>>) src(%dma_wait3A_91 : memref<512xi32, #tpu.memory_space<hbm>>) dst(%arg11 : memref<512xi32, #tpu.memory_space<vmem>>)
          tpu.yield
        }) : () -> ()
      } else {
      }
      %dma_wait3A_41 = arith.constant 0 : i32
      %dma_wait3A_42 = arith.constant 0 : i32
      %dma_wait3A_43 = tpu.memref_slice %arg4[%dma_wait3A_41, %dma_wait3A_42] : memref<100096x16xf32, #tpu.memory_space<hbm>> -> memref<100096x16xf32, #tpu.memory_space<hbm>>
      tpu.wait_indirect_dma semaphore(%arg15 : memref<!tpu.dma_semaphore, #tpu.memory_space<semaphore_mem>>) src(%dma_wait3A_43 : memref<100096x16xf32, #tpu.memory_space<hbm>>) dst(%arg12 : memref<512x16xf32, #tpu.memory_space<vmem>>)
      %dma_start3A_44 = arith.constant 0 : i32
      %dma_start3A_45 = arith.constant 0 : i32
      %dma_start3A_46 = tpu.memref_slice %arg14[%dma_start3A_44, %dma_start3A_45] : memref<100096x16xf32, #tpu.memory_space<vmem_shared>> -> memref<100096x16xf32, #tpu.memory_space<vmem_shared>>
      tpu.enqueue_indirect_dma source(%arg12 : memref<512x16xf32, #tpu.memory_space<vmem>>) target(%dma_start3A_46 : memref<100096x16xf32, #tpu.memory_space<vmem_shared>>) offsets(%arg10 : memref<512xi32, #tpu.memory_space<vmem>>) semaphore(%arg17 : memref<!tpu.dma_semaphore, #tpu.memory_space<semaphore_mem>>) {add = true}
      %add3A_47 = arith.constant 1 : i32
      %add3A_48 = arith.addi %mul3A_30, %add3A_47 : i32
      %lt3A_49 = arith.constant 396 : i32
      %lt3A_50 = arith.cmpi slt, %add3A_48, %lt3A_49 : i32
      %convert_element_type3A_51 = arith.extui %lt3A_50 : i1 to i32
      %cond3A_52 = arith.constant 0 : i32
      %cond3A_53 = arith.cmpi ne, %convert_element_type3A_51, %cond3A_52 : i32
      scf.if %cond3A_53 {
        %dma_start3A_83 = arith.constant 0 : i32
        %dma_start3A_84 = arith.constant 0 : i32
        %dma_start3A_85 = tpu.memref_slice %arg4[%dma_start3A_83, %dma_start3A_84] : memref<100096x16xf32, #tpu.memory_space<hbm>> -> memref<100096x16xf32, #tpu.memory_space<hbm>>
        tpu.enqueue_indirect_dma source(%dma_start3A_85 : memref<100096x16xf32, #tpu.memory_space<hbm>>) target(%arg13 : memref<512x16xf32, #tpu.memory_space<vmem>>) offsets(%arg9 : memref<512xi32, #tpu.memory_space<vmem>>) semaphore(%arg16 : memref<!tpu.dma_semaphore, #tpu.memory_space<semaphore_mem>>)
      } else {
      }
      %mul3A_54 = arith.constant 2 : i32
      %mul3A_55 = arith.muli %mul3A_54, %scan3A_28 : i32
      %add3A_56 = arith.constant 1 : i32
      %add3A_57 = arith.addi %mul3A_55, %add3A_56 : i32
      %ge3A_58 = arith.constant 1 : i32
      %ge3A_59 = arith.cmpi sge, %add3A_57, %ge3A_58 : i32
      %convert_element_type3A_60 = arith.extui %ge3A_59 : i1 to i32
      %cond3A_61 = arith.constant 0 : i32
      %cond3A_62 = arith.cmpi ne, %convert_element_type3A_60, %cond3A_61 : i32
      scf.if %cond3A_62 {
        %dma_wait3A_83 = arith.constant 0 : i32
        %dma_wait3A_84 = arith.constant 0 : i32
        %dma_wait3A_85 = tpu.memref_slice %arg14[%dma_wait3A_83, %dma_wait3A_84] : memref<100096x16xf32, #tpu.memory_space<vmem_shared>> -> memref<100096x16xf32, #tpu.memory_space<vmem_shared>>
        tpu.wait_indirect_dma semaphore(%arg17 : memref<!tpu.dma_semaphore, #tpu.memory_space<semaphore_mem>>) src(%arg12 : memref<512x16xf32, #tpu.memory_space<vmem>>) dst(%dma_wait3A_85 : memref<100096x16xf32, #tpu.memory_space<vmem_shared>>)
      } else {
      }
      %add3A_63 = arith.constant 1 : i32
      %add3A_64 = arith.addi %add3A_57, %add3A_63 : i32
      %lt3A_65 = arith.constant 396 : i32
      %lt3A_66 = arith.cmpi slt, %add3A_64, %lt3A_65 : i32
      %convert_element_type3A_67 = arith.extui %lt3A_66 : i1 to i32
      %cond3A_68 = arith.constant 0 : i32
      %cond3A_69 = arith.cmpi ne, %convert_element_type3A_67, %cond3A_68 : i32
      scf.if %cond3A_69 {
        %add3A_83 = arith.constant 1 : i32
        %add3A_84 = arith.addi %add3A_57, %add3A_83 : i32
        %add3A_85 = arith.addi %mul3A_6, %add3A_84 : i32
        %mul3A_86 = arith.constant 512 : i32
        %mul3A_87 = arith.muli %add3A_85, %mul3A_86 : i32
        "tpu.region"() ({
          %run_scoped3A = tpu.sem_alloc : memref<!tpu.dma_semaphore, #tpu.memory_space<semaphore_mem>>
          %dma_start3A_88 = tpu.memref_slice %arg2[%mul3A_87] : memref<6488064xi32, #tpu.memory_space<hbm>> -> memref<512xi32, #tpu.memory_space<hbm>>
          %dma_start3A_89 = tpu.memref_slice %arg2[%mul3A_87] : memref<6488064xi32, #tpu.memory_space<hbm>> -> memref<512xi32, #tpu.memory_space<hbm>>
          tpu.enqueue_dma source(%dma_start3A_89 : memref<512xi32, #tpu.memory_space<hbm>>) target(%arg8 : memref<512xi32, #tpu.memory_space<vmem>>) target_semaphore(%run_scoped3A : memref<!tpu.dma_semaphore, #tpu.memory_space<semaphore_mem>>)
          %dma_wait3A_90 = tpu.memref_slice %arg2[%mul3A_87] : memref<6488064xi32, #tpu.memory_space<hbm>> -> memref<512xi32, #tpu.memory_space<hbm>>
          %dma_wait3A_91 = tpu.memref_slice %arg2[%mul3A_87] : memref<6488064xi32, #tpu.memory_space<hbm>> -> memref<512xi32, #tpu.memory_space<hbm>>
          tpu.wait_dma2 semaphore(%run_scoped3A : memref<!tpu.dma_semaphore, #tpu.memory_space<semaphore_mem>>) src(%dma_wait3A_91 : memref<512xi32, #tpu.memory_space<hbm>>) dst(%arg8 : memref<512xi32, #tpu.memory_space<vmem>>)
          tpu.yield
        }) : () -> ()
        "tpu.region"() ({
          %run_scoped3A = tpu.sem_alloc : memref<!tpu.dma_semaphore, #tpu.memory_space<semaphore_mem>>
          %dma_start3A_88 = tpu.memref_slice %arg3[%mul3A_87] : memref<6488064xi32, #tpu.memory_space<hbm>> -> memref<512xi32, #tpu.memory_space<hbm>>
          %dma_start3A_89 = tpu.memref_slice %arg3[%mul3A_87] : memref<6488064xi32, #tpu.memory_space<hbm>> -> memref<512xi32, #tpu.memory_space<hbm>>
          tpu.enqueue_dma source(%dma_start3A_89 : memref<512xi32, #tpu.memory_space<hbm>>) target(%arg10 : memref<512xi32, #tpu.memory_space<vmem>>) target_semaphore(%run_scoped3A : memref<!tpu.dma_semaphore, #tpu.memory_space<semaphore_mem>>)
          %dma_wait3A_90 = tpu.memref_slice %arg3[%mul3A_87] : memref<6488064xi32, #tpu.memory_space<hbm>> -> memref<512xi32, #tpu.memory_space<hbm>>
          %dma_wait3A_91 = tpu.memref_slice %arg3[%mul3A_87] : memref<6488064xi32, #tpu.memory_space<hbm>> -> memref<512xi32, #tpu.memory_space<hbm>>
          tpu.wait_dma2 semaphore(%run_scoped3A : memref<!tpu.dma_semaphore, #tpu.memory_space<semaphore_mem>>) src(%dma_wait3A_91 : memref<512xi32, #tpu.memory_space<hbm>>) dst(%arg10 : memref<512xi32, #tpu.memory_space<vmem>>)
          tpu.yield
        }) : () -> ()
      } else {
      }
      %dma_wait3A_70 = arith.constant 0 : i32
      %dma_wait3A_71 = arith.constant 0 : i32
      %dma_wait3A_72 = tpu.memref_slice %arg4[%dma_wait3A_70, %dma_wait3A_71] : memref<100096x16xf32, #tpu.memory_space<hbm>> -> memref<100096x16xf32, #tpu.memory_space<hbm>>
      tpu.wait_indirect_dma semaphore(%arg16 : memref<!tpu.dma_semaphore, #tpu.memory_space<semaphore_mem>>) src(%dma_wait3A_72 : memref<100096x16xf32, #tpu.memory_space<hbm>>) dst(%arg13 : memref<512x16xf32, #tpu.memory_space<vmem>>)
      %dma_start3A_73 = arith.constant 0 : i32
      %dma_start3A_74 = arith.constant 0 : i32
      %dma_start3A_75 = tpu.memref_slice %arg14[%dma_start3A_73, %dma_start3A_74] : memref<100096x16xf32, #tpu.memory_space<vmem_shared>> -> memref<100096x16xf32, #tpu.memory_space<vmem_shared>>
      tpu.enqueue_indirect_dma source(%arg13 : memref<512x16xf32, #tpu.memory_space<vmem>>) target(%dma_start3A_75 : memref<100096x16xf32, #tpu.memory_space<vmem_shared>>) offsets(%arg11 : memref<512xi32, #tpu.memory_space<vmem>>) semaphore(%arg18 : memref<!tpu.dma_semaphore, #tpu.memory_space<semaphore_mem>>) {add = true}
      %add3A_76 = arith.constant 1 : i32
      %add3A_77 = arith.addi %add3A_57, %add3A_76 : i32
      %lt3A_78 = arith.constant 396 : i32
      %lt3A_79 = arith.cmpi slt, %add3A_77, %lt3A_78 : i32
      %convert_element_type3A_80 = arith.extui %lt3A_79 : i1 to i32
      %cond3A_81 = arith.constant 0 : i32
      %cond3A_82 = arith.cmpi ne, %convert_element_type3A_80, %cond3A_81 : i32
      scf.if %cond3A_82 {
        %dma_start3A_83 = arith.constant 0 : i32
        %dma_start3A_84 = arith.constant 0 : i32
        %dma_start3A_85 = tpu.memref_slice %arg4[%dma_start3A_83, %dma_start3A_84] : memref<100096x16xf32, #tpu.memory_space<hbm>> -> memref<100096x16xf32, #tpu.memory_space<hbm>>
        tpu.enqueue_indirect_dma source(%dma_start3A_85 : memref<100096x16xf32, #tpu.memory_space<hbm>>) target(%arg12 : memref<512x16xf32, #tpu.memory_space<vmem>>) offsets(%arg8 : memref<512xi32, #tpu.memory_space<vmem>>) semaphore(%arg15 : memref<!tpu.dma_semaphore, #tpu.memory_space<semaphore_mem>>)
      } else {
      }
    }
    %scan3A_17 = arith.constant 198 : i32
    %dma_wait3A = arith.constant 0 : i32
    %dma_wait3A_18 = arith.constant 0 : i32
    %dma_wait3A_19 = tpu.memref_slice %arg14[%dma_wait3A, %dma_wait3A_18] : memref<100096x16xf32, #tpu.memory_space<vmem_shared>> -> memref<100096x16xf32, #tpu.memory_space<vmem_shared>>
    tpu.wait_indirect_dma semaphore(%arg18 : memref<!tpu.dma_semaphore, #tpu.memory_space<semaphore_mem>>) src(%arg13 : memref<512x16xf32, #tpu.memory_space<vmem>>) dst(%dma_wait3A_19 : memref<100096x16xf32, #tpu.memory_space<vmem_shared>>)
    %barrier3A_20 = arith.constant 0 : index
    tpu.barrier barrier_id(%barrier3A_20)
    %eq3A = arith.constant 0 : i32
    %eq3A_21 = arith.cmpi eq, %arg0, %eq3A : i32
    %convert_element_type3A = arith.extui %eq3A_21 : i1 to i32
    %cond3A = arith.constant 0 : i32
    %cond3A_22 = arith.cmpi ne, %convert_element_type3A, %cond3A : i32
    scf.if %cond3A_22 {
      %mul3A_28 = arith.constant 6256 : i32
      %mul3A_29 = arith.muli %arg1, %mul3A_28 : i32
      %mul3A_30 = arith.constant 6256 : i32
      %mul3A_31 = arith.muli %arg1, %mul3A_30 : i32
      "tpu.region"() ({
        %run_scoped3A = tpu.sem_alloc : memref<!tpu.dma_semaphore, #tpu.memory_space<semaphore_mem>>
        %dma_start3A_32 = arith.constant 0 : i32
        %dma_start3A_33 = tpu.memref_slice %arg6[%mul3A_31, %dma_start3A_32] : memref<100096x16xf32, #tpu.memory_space<hbm>> -> memref<6256x16xf32, #tpu.memory_space<hbm>>
        %dma_start3A_34 = arith.constant 0 : i32
        %dma_start3A_35 = tpu.memref_slice %arg14[%mul3A_29, %dma_start3A_34] : memref<100096x16xf32, #tpu.memory_space<vmem_shared>> -> memref<6256x16xf32, #tpu.memory_space<vmem_shared>>
        tpu.enqueue_dma source(%dma_start3A_35 : memref<6256x16xf32, #tpu.memory_space<vmem_shared>>) target(%dma_start3A_33 : memref<6256x16xf32, #tpu.memory_space<hbm>>) target_semaphore(%run_scoped3A : memref<!tpu.dma_semaphore, #tpu.memory_space<semaphore_mem>>)
        %dma_wait3A_36 = arith.constant 0 : i32
        %dma_wait3A_37 = tpu.memref_slice %arg6[%mul3A_31, %dma_wait3A_36] : memref<100096x16xf32, #tpu.memory_space<hbm>> -> memref<6256x16xf32, #tpu.memory_space<hbm>>
        %dma_wait3A_38 = arith.constant 0 : i32
        %dma_wait3A_39 = tpu.memref_slice %arg14[%mul3A_29, %dma_wait3A_38] : memref<100096x16xf32, #tpu.memory_space<vmem_shared>> -> memref<6256x16xf32, #tpu.memory_space<vmem_shared>>
        tpu.wait_dma2 semaphore(%run_scoped3A : memref<!tpu.dma_semaphore, #tpu.memory_space<semaphore_mem>>) src(%dma_wait3A_39 : memref<6256x16xf32, #tpu.memory_space<vmem_shared>>) dst(%dma_wait3A_37 : memref<6256x16xf32, #tpu.memory_space<hbm>>)
        tpu.yield
      }) : () -> ()
    } else {
    }
    %eq3A_23 = arith.constant 1 : i32
    %eq3A_24 = arith.cmpi eq, %arg0, %eq3A_23 : i32
    %convert_element_type3A_25 = arith.extui %eq3A_24 : i1 to i32
    %cond3A_26 = arith.constant 0 : i32
    %cond3A_27 = arith.cmpi ne, %convert_element_type3A_25, %cond3A_26 : i32
    scf.if %cond3A_27 {
      %mul3A_28 = arith.constant 6256 : i32
      %mul3A_29 = arith.muli %arg1, %mul3A_28 : i32
      %mul3A_30 = arith.constant 6256 : i32
      %mul3A_31 = arith.muli %arg1, %mul3A_30 : i32
      "tpu.region"() ({
        %run_scoped3A = tpu.sem_alloc : memref<!tpu.dma_semaphore, #tpu.memory_space<semaphore_mem>>
        %dma_start3A_32 = arith.constant 0 : i32
        %dma_start3A_33 = tpu.memref_slice %arg7[%mul3A_31, %dma_start3A_32] : memref<100096x16xf32, #tpu.memory_space<hbm>> -> memref<6256x16xf32, #tpu.memory_space<hbm>>
        %dma_start3A_34 = arith.constant 0 : i32
        %dma_start3A_35 = tpu.memref_slice %arg14[%mul3A_29, %dma_start3A_34] : memref<100096x16xf32, #tpu.memory_space<vmem_shared>> -> memref<6256x16xf32, #tpu.memory_space<vmem_shared>>
        tpu.enqueue_dma source(%dma_start3A_35 : memref<6256x16xf32, #tpu.memory_space<vmem_shared>>) target(%dma_start3A_33 : memref<6256x16xf32, #tpu.memory_space<hbm>>) target_semaphore(%run_scoped3A : memref<!tpu.dma_semaphore, #tpu.memory_space<semaphore_mem>>)
        %dma_wait3A_36 = arith.constant 0 : i32
        %dma_wait3A_37 = tpu.memref_slice %arg7[%mul3A_31, %dma_wait3A_36] : memref<100096x16xf32, #tpu.memory_space<hbm>> -> memref<6256x16xf32, #tpu.memory_space<hbm>>
        %dma_wait3A_38 = arith.constant 0 : i32
        %dma_wait3A_39 = tpu.memref_slice %arg14[%mul3A_29, %dma_wait3A_38] : memref<100096x16xf32, #tpu.memory_space<vmem_shared>> -> memref<6256x16xf32, #tpu.memory_space<vmem_shared>>
        tpu.wait_dma2 semaphore(%run_scoped3A : memref<!tpu.dma_semaphore, #tpu.memory_space<semaphore_mem>>) src(%dma_wait3A_39 : memref<6256x16xf32, #tpu.memory_space<vmem_shared>>) dst(%dma_wait3A_37 : memref<6256x16xf32, #tpu.memory_space<hbm>>)
        tpu.yield
      }) : () -> ()
    } else {
    }
    return
  }
}

module attributes {stable_mosaic.version = 14 : i64} {
  func.func @_stage_a_body(%arg0: i32, %arg1: memref<1024x128xf32, #tpu.memory_space<vmem>>, %arg2: memref<1024x128xf32, #tpu.memory_space<vmem>>, %arg3: memref<1024x128xf32, #tpu.memory_space<vmem>>, %arg4: memref<128x128xf32, #tpu.memory_space<vmem>>, %arg5: memref<128x128xf32, #tpu.memory_space<vmem>>, %arg6: memref<1024x128xf32, #tpu.memory_space<vmem>>, %arg7: memref<1024x128xf32, #tpu.memory_space<vmem>>) attributes {dimension_semantics = [#tpu.dimension_semantics<arbitrary>], iteration_bounds = array<i64: 13>, scalar_prefetch = 0 : i64, scratch_operands = 0 : i64, tpu.core_type = #tpu.core_type<tc>, window_params = [{transform_indices = @transform_0, window_bounds = array<i64: 1024, 128>}, {transform_indices = @transform_1, window_bounds = array<i64: 1024, 128>}, {transform_indices = @transform_2, window_bounds = array<i64: 1024, 128>}, {pipeline_mode = #tpu.pipeline_mode<synchronous>, transform_indices = @transform_3, window_bounds = array<i64: 128, 128>}, {pipeline_mode = #tpu.pipeline_mode<synchronous>, transform_indices = @transform_4, window_bounds = array<i64: 128, 128>}, {transform_indices = @transform_5, window_bounds = array<i64: 1024, 128>}, {transform_indices = @transform_6, window_bounds = array<i64: 1024, 128>}]} {
    %get3A = arith.constant 0 : index
    %get3A_0 = arith.constant 0 : index
    %get3A_1 = vector.load %arg1[%get3A, %get3A_0] : memref<1024x128xf32, #tpu.memory_space<vmem>>, vector<1024x128xf32>
    %get3A_2 = arith.constant 0 : index
    %get3A_3 = arith.constant 0 : index
    %get3A_4 = vector.load %arg2[%get3A_2, %get3A_3] : memref<1024x128xf32, #tpu.memory_space<vmem>>, vector<1024x128xf32>
    %add3A = arith.addf %get3A_1, %get3A_4 : vector<1024x128xf32>
    %get3A_5 = arith.constant 0 : index
    %get3A_6 = arith.constant 0 : index
    %get3A_7 = vector.load %arg5[%get3A_5, %get3A_6] : memref<128x128xf32, #tpu.memory_space<vmem>>, vector<128x128xf32>
    %dot_general3A = arith.constant dense<0.000000e+00> : vector<1024x128xf32>
    %dot_general3A_8 = tpu.matmul %add3A, %get3A_7, %dot_general3A {dimension_numbers = #tpu.dot_dimension_numbers<[1], [0], [0], [1], [0, 0, 1, 1], [], []>, transpose_lhs_hint = false} : vector<1024x128xf32>, vector<128x128xf32>, vector<1024x128xf32> -> vector<1024x128xf32>
    %add3A_9 = arith.constant 1.000000e+00 : f32
    %add3A_10 = vector.broadcast %add3A_9 : f32 to vector<1024x128xf32>
    %add3A_11 = arith.addf %dot_general3A_8, %add3A_10 : vector<1024x128xf32>
    %rsqrt3A = math.rsqrt %add3A_11 : vector<1024x128xf32>
    %swap3A = arith.constant 0 : index
    %swap3A_12 = arith.constant 0 : index
    %swap3A_13 = vector.load %arg6[%swap3A, %swap3A_12] : memref<1024x128xf32, #tpu.memory_space<vmem>>, vector<1024x128xf32>
    tpu.vector_store %arg6[%swap3A, %swap3A_12], %rsqrt3A {strides = array<i32>} : memref<1024x128xf32, #tpu.memory_space<vmem>>, vector<1024x128xf32>,
    %get3A_14 = arith.constant 0 : index
    %get3A_15 = arith.constant 0 : index
    %get3A_16 = vector.load %arg3[%get3A_14, %get3A_15] : memref<1024x128xf32, #tpu.memory_space<vmem>>, vector<1024x128xf32>
    %get3A_17 = arith.constant 0 : index
    %get3A_18 = arith.constant 0 : index
    %get3A_19 = vector.load %arg4[%get3A_17, %get3A_18] : memref<128x128xf32, #tpu.memory_space<vmem>>, vector<128x128xf32>
    %dot_general3A_20 = arith.constant dense<0.000000e+00> : vector<1024x128xf32>
    %dot_general3A_21 = tpu.matmul %get3A_16, %get3A_19, %dot_general3A_20 {dimension_numbers = #tpu.dot_dimension_numbers<[1], [0], [0], [1], [0, 0, 1, 1], [], []>, transpose_lhs_hint = false} : vector<1024x128xf32>, vector<128x128xf32>, vector<1024x128xf32> -> vector<1024x128xf32>
    %mul3A = arith.mulf %rsqrt3A, %dot_general3A_21 : vector<1024x128xf32>
    %swap3A_22 = arith.constant 0 : index
    %swap3A_23 = arith.constant 0 : index
    %swap3A_24 = vector.load %arg7[%swap3A_22, %swap3A_23] : memref<1024x128xf32, #tpu.memory_space<vmem>>, vector<1024x128xf32>
    tpu.vector_store %arg7[%swap3A_22, %swap3A_23], %mul3A {strides = array<i32>} : memref<1024x128xf32, #tpu.memory_space<vmem>>, vector<1024x128xf32>,
    return
  }
  func.func @transform_0(%arg0: i32) -> (i32, i32) {
    %c0_i32 = arith.constant 0 : i32
    %c0_i32_0 = arith.constant 0 : i32
    return %arg0, %c0_i32 : i32, i32
  }
  func.func @transform_1(%arg0: i32) -> (i32, i32) {
    %c0_i32 = arith.constant 0 : i32
    %c0_i32_0 = arith.constant 0 : i32
    return %arg0, %c0_i32 : i32, i32
  }
  func.func @transform_2(%arg0: i32) -> (i32, i32) {
    %c0_i32 = arith.constant 0 : i32
    %c0_i32_0 = arith.constant 0 : i32
    return %arg0, %c0_i32 : i32, i32
  }
  func.func @transform_3(%arg0: i32) -> (i32, i32) {
    %c0_i32 = arith.constant 0 : i32
    %c0_i32_0 = arith.constant 0 : i32
    %c0_i32_1 = arith.constant 0 : i32
    return %c0_i32, %c0_i32_0 : i32, i32
  }
  func.func @transform_4(%arg0: i32) -> (i32, i32) {
    %c0_i32 = arith.constant 0 : i32
    %c0_i32_0 = arith.constant 0 : i32
    %c0_i32_1 = arith.constant 0 : i32
    return %c0_i32, %c0_i32_0 : i32, i32
  }
  func.func @transform_5(%arg0: i32) -> (i32, i32) {
    %c0_i32 = arith.constant 0 : i32
    %c0_i32_0 = arith.constant 0 : i32
    return %arg0, %c0_i32 : i32, i32
  }
  func.func @transform_6(%arg0: i32) -> (i32, i32) {
    %c0_i32 = arith.constant 0 : i32
    %c0_i32_0 = arith.constant 0 : i32
    return %arg0, %c0_i32 : i32, i32
  }
}

module attributes {stable_mosaic.version = 14 : i64} {
  func.func @_stage_mid_body(%arg0: i32, %arg1: memref<1024x128xf32, #tpu.memory_space<vmem>>, %arg2: memref<1024x128xf32, #tpu.memory_space<vmem>>, %arg3: memref<1024x128xf32, #tpu.memory_space<vmem>>, %arg4: memref<1024x128xf32, #tpu.memory_space<vmem>>, %arg5: memref<1x128xf32, #tpu.memory_space<vmem>>, %arg6: memref<128x128xf32, #tpu.memory_space<vmem>>, %arg7: memref<1024x128xf32, #tpu.memory_space<vmem>>) attributes {dimension_semantics = [#tpu.dimension_semantics<arbitrary>], iteration_bounds = array<i64: 13>, scalar_prefetch = 0 : i64, scratch_operands = 0 : i64, tpu.core_type = #tpu.core_type<tc>, window_params = [{transform_indices = @transform_0, window_bounds = array<i64: 1024, 128>}, {transform_indices = @transform_1, window_bounds = array<i64: 1024, 128>}, {transform_indices = @transform_2, window_bounds = array<i64: 1024, 128>}, {transform_indices = @transform_3, window_bounds = array<i64: 1024, 128>}, {pipeline_mode = #tpu.pipeline_mode<synchronous>, transform_indices = @transform_4, window_bounds = array<i64: 1, 128>}, {pipeline_mode = #tpu.pipeline_mode<synchronous>, transform_indices = @transform_5, window_bounds = array<i64: 128, 128>}, {transform_indices = @transform_6, window_bounds = array<i64: 1024, 128>}]} {
    %get3A = arith.constant 0 : index
    %get3A_0 = arith.constant 0 : index
    %get3A_1 = vector.load %arg4[%get3A, %get3A_0] : memref<1024x128xf32, #tpu.memory_space<vmem>>, vector<1024x128xf32>
    %get3A_2 = arith.constant 0 : index
    %get3A_3 = arith.constant 0 : index
    %get3A_4 = vector.load %arg1[%get3A_2, %get3A_3] : memref<1024x128xf32, #tpu.memory_space<vmem>>, vector<1024x128xf32>
    %get3A_5 = arith.constant 0 : index
    %get3A_6 = arith.constant 0 : index
    %get3A_7 = vector.load %arg2[%get3A_5, %get3A_6] : memref<1024x128xf32, #tpu.memory_space<vmem>>, vector<1024x128xf32>
    %add3A = arith.addf %get3A_4, %get3A_7 : vector<1024x128xf32>
    %get3A_8 = arith.constant 0 : index
    %get3A_9 = arith.constant 0 : index
    %get3A_10 = vector.load %arg3[%get3A_8, %get3A_9] : memref<1024x128xf32, #tpu.memory_space<vmem>>, vector<1024x128xf32>
    %add3A_11 = arith.addf %add3A, %get3A_10 : vector<1024x128xf32>
    %mul3A = arith.mulf %get3A_1, %add3A_11 : vector<1024x128xf32>
    %get3A_12 = arith.constant 0 : index
    %get3A_13 = arith.constant 0 : index
    %get3A_14 = vector.load %arg5[%get3A_12, %get3A_13] : memref<1x128xf32, #tpu.memory_space<vmem>>, vector<1x128xf32>
    %add3A_15 = vector.broadcast %get3A_14 : vector<1x128xf32> to vector<1024x128xf32>
    %add3A_16 = arith.addf %mul3A, %add3A_15 : vector<1024x128xf32>
    %tanh3A = math.tanh %add3A_16 : vector<1024x128xf32>
    %get3A_17 = arith.constant 0 : index
    %get3A_18 = arith.constant 0 : index
    %get3A_19 = vector.load %arg6[%get3A_17, %get3A_18] : memref<128x128xf32, #tpu.memory_space<vmem>>, vector<128x128xf32>
    %dot_general3A = arith.constant dense<0.000000e+00> : vector<1024x128xf32>
    %dot_general3A_20 = tpu.matmul %tanh3A, %get3A_19, %dot_general3A {dimension_numbers = #tpu.dot_dimension_numbers<[1], [0], [0], [1], [0, 0, 1, 1], [], []>, transpose_lhs_hint = false} : vector<1024x128xf32>, vector<128x128xf32>, vector<1024x128xf32> -> vector<1024x128xf32>
    %mul3A_21 = arith.mulf %get3A_1, %dot_general3A_20 : vector<1024x128xf32>
    %swap3A = arith.constant 0 : index
    %swap3A_22 = arith.constant 0 : index
    %swap3A_23 = vector.load %arg7[%swap3A, %swap3A_22] : memref<1024x128xf32, #tpu.memory_space<vmem>>, vector<1024x128xf32>
    tpu.vector_store %arg7[%swap3A, %swap3A_22], %mul3A_21 {strides = array<i32>} : memref<1024x128xf32, #tpu.memory_space<vmem>>, vector<1024x128xf32>,
    return
  }
  func.func @transform_0(%arg0: i32) -> (i32, i32) {
    %c0_i32 = arith.constant 0 : i32
    %c0_i32_0 = arith.constant 0 : i32
    return %arg0, %c0_i32 : i32, i32
  }
  func.func @transform_1(%arg0: i32) -> (i32, i32) {
    %c0_i32 = arith.constant 0 : i32
    %c0_i32_0 = arith.constant 0 : i32
    return %arg0, %c0_i32 : i32, i32
  }
  func.func @transform_2(%arg0: i32) -> (i32, i32) {
    %c0_i32 = arith.constant 0 : i32
    %c0_i32_0 = arith.constant 0 : i32
    return %arg0, %c0_i32 : i32, i32
  }
  func.func @transform_3(%arg0: i32) -> (i32, i32) {
    %c0_i32 = arith.constant 0 : i32
    %c0_i32_0 = arith.constant 0 : i32
    return %arg0, %c0_i32 : i32, i32
  }
  func.func @transform_4(%arg0: i32) -> (i32, i32) {
    %c0_i32 = arith.constant 0 : i32
    %c0_i32_0 = arith.constant 0 : i32
    %c0_i32_1 = arith.constant 0 : i32
    return %c0_i32, %c0_i32_0 : i32, i32
  }
  func.func @transform_5(%arg0: i32) -> (i32, i32) {
    %c0_i32 = arith.constant 0 : i32
    %c0_i32_0 = arith.constant 0 : i32
    %c0_i32_1 = arith.constant 0 : i32
    return %c0_i32, %c0_i32_0 : i32, i32
  }
  func.func @transform_6(%arg0: i32) -> (i32, i32) {
    %c0_i32 = arith.constant 0 : i32
    %c0_i32_0 = arith.constant 0 : i32
    return %arg0, %c0_i32 : i32, i32
  }
}

module attributes {stable_mosaic.version = 14 : i64} {
  func.func @_stage_last_body(%arg0: i32, %arg1: memref<1024x128xf32, #tpu.memory_space<vmem>>, %arg2: memref<1024x128xf32, #tpu.memory_space<vmem>>, %arg3: memref<1024x128xf32, #tpu.memory_space<vmem>>, %arg4: memref<1024x128xf32, #tpu.memory_space<vmem>>, %arg5: memref<1x128xf32, #tpu.memory_space<vmem>>, %arg6: memref<1024x128xf32, #tpu.memory_space<vmem>>) attributes {dimension_semantics = [#tpu.dimension_semantics<arbitrary>], iteration_bounds = array<i64: 13>, scalar_prefetch = 0 : i64, scratch_operands = 0 : i64, tpu.core_type = #tpu.core_type<tc>, window_params = [{transform_indices = @transform_0, window_bounds = array<i64: 1024, 128>}, {transform_indices = @transform_1, window_bounds = array<i64: 1024, 128>}, {transform_indices = @transform_2, window_bounds = array<i64: 1024, 128>}, {transform_indices = @transform_3, window_bounds = array<i64: 1024, 128>}, {pipeline_mode = #tpu.pipeline_mode<synchronous>, transform_indices = @transform_4, window_bounds = array<i64: 1, 128>}, {transform_indices = @transform_5, window_bounds = array<i64: 1024, 128>}]} {
    %get3A = arith.constant 0 : index
    %get3A_0 = arith.constant 0 : index
    %get3A_1 = vector.load %arg4[%get3A, %get3A_0] : memref<1024x128xf32, #tpu.memory_space<vmem>>, vector<1024x128xf32>
    %get3A_2 = arith.constant 0 : index
    %get3A_3 = arith.constant 0 : index
    %get3A_4 = vector.load %arg1[%get3A_2, %get3A_3] : memref<1024x128xf32, #tpu.memory_space<vmem>>, vector<1024x128xf32>
    %get3A_5 = arith.constant 0 : index
    %get3A_6 = arith.constant 0 : index
    %get3A_7 = vector.load %arg2[%get3A_5, %get3A_6] : memref<1024x128xf32, #tpu.memory_space<vmem>>, vector<1024x128xf32>
    %add3A = arith.addf %get3A_4, %get3A_7 : vector<1024x128xf32>
    %get3A_8 = arith.constant 0 : index
    %get3A_9 = arith.constant 0 : index
    %get3A_10 = vector.load %arg3[%get3A_8, %get3A_9] : memref<1024x128xf32, #tpu.memory_space<vmem>>, vector<1024x128xf32>
    %add3A_11 = arith.addf %add3A, %get3A_10 : vector<1024x128xf32>
    %mul3A = arith.mulf %get3A_1, %add3A_11 : vector<1024x128xf32>
    %get3A_12 = arith.constant 0 : index
    %get3A_13 = arith.constant 0 : index
    %get3A_14 = vector.load %arg5[%get3A_12, %get3A_13] : memref<1x128xf32, #tpu.memory_space<vmem>>, vector<1x128xf32>
    %add3A_15 = vector.broadcast %get3A_14 : vector<1x128xf32> to vector<1024x128xf32>
    %add3A_16 = arith.addf %mul3A, %add3A_15 : vector<1024x128xf32>
    %swap3A = arith.constant 0 : index
    %swap3A_17 = arith.constant 0 : index
    %swap3A_18 = vector.load %arg6[%swap3A, %swap3A_17] : memref<1024x128xf32, #tpu.memory_space<vmem>>, vector<1024x128xf32>
    tpu.vector_store %arg6[%swap3A, %swap3A_17], %add3A_16 {strides = array<i32>} : memref<1024x128xf32, #tpu.memory_space<vmem>>, vector<1024x128xf32>,
    return
  }
  func.func @transform_0(%arg0: i32) -> (i32, i32) {
    %c0_i32 = arith.constant 0 : i32
    %c0_i32_0 = arith.constant 0 : i32
    return %arg0, %c0_i32 : i32, i32
  }
  func.func @transform_1(%arg0: i32) -> (i32, i32) {
    %c0_i32 = arith.constant 0 : i32
    %c0_i32_0 = arith.constant 0 : i32
    return %arg0, %c0_i32 : i32, i32
  }
  func.func @transform_2(%arg0: i32) -> (i32, i32) {
    %c0_i32 = arith.constant 0 : i32
    %c0_i32_0 = arith.constant 0 : i32
    return %arg0, %c0_i32 : i32, i32
  }
  func.func @transform_3(%arg0: i32) -> (i32, i32) {
    %c0_i32 = arith.constant 0 : i32
    %c0_i32_0 = arith.constant 0 : i32
    return %arg0, %c0_i32 : i32, i32
  }
  func.func @transform_4(%arg0: i32) -> (i32, i32) {
    %c0_i32 = arith.constant 0 : i32
    %c0_i32_0 = arith.constant 0 : i32
    %c0_i32_1 = arith.constant 0 : i32
    return %c0_i32, %c0_i32_0 : i32, i32
  }
  func.func @transform_5(%arg0: i32) -> (i32, i32) {
    %c0_i32 = arith.constant 0 : i32
    %c0_i32_0 = arith.constant 0 : i32
    return %arg0, %c0_i32 : i32, i32
  }
}

</mosaic_0001>

<sc_bundles>
// kernel: kernel.10.cloned.1.call-start
scs
__scs_entry_jumppad:
0x0: {  	(pc) =	sbr.rel $0x88, $3  }
0x1: {  	(tag) =	ssettag $0x0;
	lr =	simm.s32 $0x1  }
0x2: {  	[smem:$0x3F99] =	sst lr;
	_ =	strace $0xD0000000  }
0x3: {  	_ = 	snop  }
0x4: {  	_ = 	snop  }
0x5: {  	_ = 	snop  }
0x6: {  	_ = 	snop  }
0x7: {  	_ = 	snop  }
__scs_overlays_trampoline_lowered:
0x8: {  	[smem:$0x3FA8] =	sst s0  }
0x9: {  	[smem:$0x3FA9] =	sst s1  }
0xa: {  	[smem:$0x3FAA] =	sst s2  }
0xb: {  	[smem:$0x3FAB] =	sst s3  }
0xc: {  	[smem:$0x3FAC] =	sst s4  }
0xd: {  	[smem:$0x3FAD] =	sst s5  }
0xe: {  	[smem:$0x3FAE] =	sst s6  }
0xf: {  	[smem:$0x3FAF] =	sst s7  }
0x10: {  	[smem:$0x3FB0] =	sst s8  }
0x11: {  	[smem:$0x3FB1] =	sst s9;
	s0 =	simm.s32 @!p0 $0x0  }
0x12: {  	s1 =	sld [smem:$0x3F97];
	s0 =	simm.s32 @p0 $0x1  }
0x13: {  	[smem:$0x3FB2] =	sst s0;
	s0 =	simm.s32 @!p1 $0x0  }
0x14: {  	s2 =	sld [smem:$0x3F96];
	s0 =	simm.s32 @p1 $0x1  }
0x15: {  	[smem:$0x3FB3] =	sst s0;
	s0 =	simm.s32 @!p2 $0x0  }
0x16: {  	s3 =	sld [smem:$0x3FDB];
	s0 =	simm.s32 @p2 $0x1  }
0x17: {  	s4 =	simm.s32 $0x1BF5;
	[smem:$0x3FB5] =	sst s0  }
0x18: {  	s0 =	sld [smem:$0x3F98];
	_ =	swait.ge [sflag:s4], $0x0  }
0x19: {  	s7 =	sld [smem:$0x3F99]  }
0x1a: {  	s8 =	sadd.s32 $0xFFFFE003, lr  }
0x1b: {  	s9 =	sadd.s32 $0xFFFFFEF7, lr;
	s5 =	simm.s32 $0xFFFFFFFF;
	p2 =	slt.u32 s8, $0xFFFFF086  }
0x1c: {  	p1 =	slt.u32 s9, $0xF7A;
	s5 =	simm.s32 @!p2 $0x0  }
0x1d: {  	s5 =	simm.s32 @p1 $0x1;
	p0 =	seq.s32 s7, s2  }
0x1e: {  	s7 =	smul.u32 @!p0 $0xF7A, s2;
	p2 =	seq.s32 @!p0 s5, $0x0  }
0x1f: {  	s9 =	smul.u32 $0xF7A, s1;
	s8 =	simm.s32 @!p0 $0x1BF5;
	p2 =	por !p2, p0  }
0x20: {  	[sflag:s8] =	ssyncset.s32 @!p0 $0xFFFFF086;
	s6 =	sadd.s32 @!p0 s3, s7;
	s7 =	simm.s32 @!p0 $0x108  }
0x21: {  	s3 =	sadd.s32 s3, s9;
	s6 =	sadd.s32 @!p0 $0x88, s6;
	s7 =	simm.s32 @p2 $0x1082  }
0x22: {  	[simem:s7], [sflag:s8] =	dma.local @!p0 [hbm:s6], $0xF7A  }
0x23: {  	s9 =	sor.u32 $0xD0000000, s2;
	s6 =	simm.s32 $0x108;
	_ =	swait.ge @!p0 [sflag:s8], $0x0  }
0x24: {  	s3 =	sadd.s32 $0x88, s3;
	s6 =	simm.s32 @!p1 $0x1082;
	[sflag:s4] =	ssyncset.s32 $0xFFFFF086  }
0x25: {  	[simem:s6], [sflag:s4] =	dma.local [hbm:s3], $0xF7A  }
0x26: {  	[smem:$0x3F99] =	sst s1;
	(tag) =	ssettag s2;
	_ =	strace s9  }
0x27: {  	s1 =	sld [smem:$0x3FA9]  }
0x28: {  	s2 =	sld [smem:$0x3FAA]  }
0x29: {  	s4 =	sld [smem:$0x3FAC]  }
0x2a: {  	p0 =	seq.s32 s5, $0x0;
	s5 =	sld [smem:$0x3FAD]  }
0x2b: {  	s6 =	sld [smem:$0x3FAE]  }
0x2c: {  	s7 =	sld [smem:$0x3FAF]  }
0x2d: {  	s3 =	simm.s32 $0x108;
	s8 =	sld [smem:$0x3FB0]  }
0x2e: {  	s3 =	simm.s32 @!p0 $0x1082;
	s9 =	sld [smem:$0x3FB1]  }
0x2f: {  	lr =	sadd.s32 s0, s3;
	s0 =	sld [smem:$0x3FA8]  }
0x30: {  	s3 =	sld [smem:$0x3FAB]  }
0x31: {  	[smem:$0x3FB4] =	sst s10  }
0x32: {  	s10 =	sld [smem:$0x3FB2];
	_ =	sdelay $0x3  }
0x33: {  	p0 =	seq.s32 s10, $0x1;
	s10 =	sld [smem:$0x3FB4];
	_ =	sdelay $0x3  }
0x34: {  	[smem:$0x3FB4] =	sst s10  }
0x35: {  	s10 =	sld [smem:$0x3FB3];
	_ =	sdelay $0x3  }
0x36: {  	p1 =	seq.s32 s10, $0x1;
	s10 =	sld [smem:$0x3FB4];
	_ =	sdelay $0x3  }
0x37: {  	[smem:$0x3FB4] =	sst s10  }
0x38: {  	s10 =	sld [smem:$0x3FB5]  }
0x39: {  	_ = 	snop;
	(pc) =	sbr.ind lr, $3  }
0x3a: {  	_ = 	snop  }
0x3b: {  	_ = 	snop  }
0x3c: {  	p2 =	seq.s32 s10, $0x1;
	s10 =	sld [smem:$0x3FB4]  }
0x3d: {  	_ =	shalt  }
0x3e: {  	_ =	shalt  }
0x3f: {  	_ =	shalt  }
0x40: {  	_ =	shalt  }
0x41: {  	_ =	shalt  }
0x42: {  	_ =	shalt  }
0x43: {  	_ =	shalt  }
0x44: {  	_ =	shalt  }
0x45: {  	_ =	shalt  }
0x46: {  	_ =	shalt  }
0x47: {  	_ =	shalt  }
0x48: {  	_ =	shalt  }
0x49: {  	_ =	shalt  }
0x4a: {  	_ =	shalt  }
0x4b: {  	_ =	shalt  }
0x4c: {  	_ =	shalt  }
0x4d: {  	_ =	shalt  }
0x4e: {  	_ =	shalt  }
0x4f: {  	_ =	shalt  }
0x50: {  	_ =	shalt  }
0x51: {  	_ =	shalt  }
0x52: {  	_ =	shalt  }
0x53: {  	_ =	shalt  }
0x54: {  	_ =	shalt  }
0x55: {  	_ =	shalt  }
0x56: {  	_ =	shalt  }
0x57: {  	_ =	shalt  }
0x58: {  	_ =	shalt  }
0x59: {  	_ =	shalt  }
0x5a: {  	_ =	shalt  }
0x5b: {  	_ =	shalt  }
0x5c: {  	_ =	shalt  }
0x5d: {  	_ =	shalt  }
0x5e: {  	_ =	shalt  }
0x5f: {  	_ =	shalt  }
0x60: {  	_ =	shalt  }
0x61: {  	_ =	shalt  }
0x62: {  	_ =	shalt  }
0x63: {  	_ =	shalt  }
0x64: {  	_ =	shalt  }
0x65: {  	_ =	shalt  }
0x66: {  	_ =	shalt  }
0x67: {  	_ =	shalt  }
0x68: {  	_ =	shalt  }
0x69: {  	_ =	shalt  }
0x6a: {  	_ =	shalt  }
0x6b: {  	_ =	shalt  }
0x6c: {  	_ =	shalt  }
0x6d: {  	_ =	shalt  }
0x6e: {  	_ =	shalt  }
0x6f: {  	_ =	shalt  }
0x70: {  	_ =	shalt  }
0x71: {  	_ =	shalt  }
0x72: {  	_ =	shalt  }
0x73: {  	_ =	shalt  }
0x74: {  	_ =	shalt  }
0x75: {  	_ =	shalt  }
0x76: {  	_ =	shalt  }
0x77: {  	_ =	shalt  }
0x78: {  	_ =	shalt  }
0x79: {  	_ =	shalt  }
0x7a: {  	_ =	shalt  }
0x7b: {  	_ =	shalt  }
0x7c: {  	_ =	shalt  }
0x7d: {  	_ =	shalt  }
0x7e: {  	_ =	shalt  }
0x7f: {  	_ =	shalt  }
0x80: {  	_ =	shalt  }
0x81: {  	_ =	shalt  }
0x82: {  	_ =	shalt  }
0x83: {  	_ =	shalt  }
0x84: {  	_ =	shalt  }
0x85: {  	_ =	shalt  }
0x86: {  	_ =	shalt  }
0x87: {  	_ =	shalt  }
.Lfunc_end0:
.L_simem_size_0:
called_computation_lowered:
.L_overlay_start_0:
0x88: {  	s2 =	sld [smem:$0x3FD9]  }
0x89: {  	s3 =	sld [smem:$0x3FFE];
	_ =	sdelay $0x1  }
0x8a: {  	s1 =	srdreg.scid  }
0x8b: {  	s0 =	sand.u32 $0x1, s1  }
0x8c: {  	s16 =	sshll.u32 s0, $0xA;
	s2 =	sadd.s32 s3, s2  }
0x8d: {  	s2 =	sadd.s32 s2, s16  }
0x8e: {  	[smem:$0x3FC0] =	sst s2  }
0x8f: {  	_ = 	snop  }
0x90: {  	(tm) =	ssettm $0x1  }
0x91: {  	s17 =	sld [smem:$0x3FFB];
	_ =	sdelay $0x3  }
0x92: {  	_ =	strace s17  }
0x93: {  	s2 =	sld [smem:$0x3FFC];
	_ =	sdelay $0x3  }
0x94: {  	_ =	strace s2  }
0x95: {  	s2 =	sld [smem:$0x3FFD];
	_ =	sdelay $0x3  }
0x96: {  	_ =	strace s2  }
0x97: {  	_ =	strace $0x8FFFFFFF  }
0x98: {  	s18 =	sld [smem:$0x3FDB];
	_ =	sdelay $0x1  }
0x99: {  	s19 =	simm.s32 $_scs_section_size  }
0x9a: {  	s4 =	simm.s32 $_size__tile_overlayer_lowered;
	s5 =	simm.s32 $_tile_overlayer_lowered  }
0x9b: {  	s22 =	simm.s32 $0x1BFF;
	s21 =	sshll.u32 s5, $0x1;
	s2 =	sadd.s32 s19, s18  }
0x9c: {  	s6 =	simm.s32 $0x0;
	s20 =	sshll.u32 s4, $0x1;
	s4 =	sadd.s32 s21, s2  }
0x9d: {  	[timem:s6], [sflag:s22] =	dma.local [hbm:s4], s20  }
0x9e: {  	_ =	swait.ge [sflag:s22], s20  }
0x9f: {  	s3 =	ssub.s32 $0x0, s20;
	[sflag:s22] =	ssyncset.done $0x0  }
0xa0: {  	[sflag:s22] =	ssyncadd.s32 s3;
	_ =	sdelay $0x1  }
0xa1: {  	s23 =	simm.s32 $0x1B8B  }
0xa2: {  	_ =	swait.ge [sflag:s23], $0x1  }
0xa3: {  	[sflag:s23] =	ssyncset.done $0x0  }
0xa4: {  	s25 =	simm.s32 $0x1B8E;
	s24 =	sld [smem:$0x3FFE];
	[sflag:s23] =	ssyncadd.s32 $0xFFFFFFFF  }
0xa5: {  	s26 =	simm.s32 $execute0_lowered;
	[smem:$0x3FD2] =	sst s25  }
0xa6: {  	s4 =	sshll.u32 s26, $0x1;
	_ =	strace $0x80000046;
	[dreg:$0x1] =	wrdreg $0xFFFFFFFF  }
0xa7: {  	s28 =	simm.s32 $_size_execute0_lowered;
	s2 =	sadd.s32 s2, s4;
	[dreg:$0x0] =	wrdreg $0x0  }
0xa8: {  	s4 =	sshll.u32 s28, $0x1;
	[dreg:$0x2] =	wrdreg s2  }
0xa9: {  	[dreg:$0x3] =	wrdreg s4  }
0xaa: {  	[dreg:$0x4] =	wrdreg $0xC0  }
0xab: {  	_ =	task [dreg:s6], $0x5FFFF  }
0xac: {  	[dreg:$0x1] =	wrdreg $0xFFFFFFFF  }
0xad: {  	[dreg:$0x0] =	wrdreg $0x60  }
0xae: {  	[dreg:$0x2] =	wrdreg s24  }
0xaf: {  	[dreg:$0x3] =	wrdreg $0x24000  }
0xb0: {  	[dreg:$0x4] =	wrdreg $0x9  }
0xb1: {  	_ =	task.clear_ibuf [dreg:s6], $0x5FFFF;
	_ =	strace $0x90000046  }
0xb2: {  	s29 =	simm.s32 $0x9;
	_ =	strace $0x80000048  }
0xb3: {  	_ =	swait.ge [sflag:s29], $0x1  }
0xb4: {  	[sflag:s29] =	ssyncadd.s32 $0xFFFFFFFF  }
0xb5: {  	_ =	strace $0x90000048  }
0xb6: {  	_ =	sfence  }
0xb7: {  	s30 =	sld [smem:$0x0];
	_ =	sdelay $0x2  }
0xb8: {  	s31 =	sshll.u32 s1, $0xD;
	s1 =	sshrl.u32 s1, $0x2  }
0xb9: {  	s3 =	sand.u32 $0x4000, s31;
	s1 =	sadd.s32 s1, s30  }
0xba: {  	s0 =	sor.u32 s3, s0;
	s1 =	sshll.u32 s1, $0x11  }
0xbb: {  	s0 =	sor.u32 s1, s0  }
0xbc: {  	s0 =	sadd.s32 $0x8F2B, s0  }
0xbd: {  	[sflag:s0] =	ssyncadd.remote.s32 $0x1  }
0xbe: {  	_ =	sfence.sel $0xFFFF  }
0xbf: {  	[dreg:$0x0] =	wrdreg $0xFFFFFFFF;
	(pc) =	sbr.abs _section_cstart, $3  }
0xc0: {  	[dreg:$0x1] =	wrdreg $0xFFFFFFFF  }
0xc1: {  	_ =	task.clear_ibuf [dreg:s6], $0x2FFFF;
	_ =	strace $0x9FFFFFFF  }
0xc2: {  	(tm) =	ssettm $0x7FFFFFFF  }
0xc3: {  	_ =	shalt  }
tec
execute0_lowered:
.L_overlay_start_1:
0x0: {  	(tag) =	ssettag $0x1  }
0x1: {  	s4 =	rddreg [dreg:$0x0]  }
0x2: {  	s2 =	rddreg [dreg:$0x1]  }
0x3: {  	s0 =	rddreg [dreg:$0x2];
	s3 =	simm.s32 $0x0  }
0x4: {  	s1 =	stileid.u32;
	s6 =	srdreg.scid;
	s16 =	simm.s32 $0x67000  }
0x5: {  	s18 =	simm.s32 $0x2;
	s19 =	simm.s32 $0x0;
	s5 =	smul.u32 $0x18700, s1  }
0x6: {  	[smem:$0x7FF] =	sst s3;
	s10 =	sand.u32 $0x1, s6;
	s15 =	smul.u32 $0x18C, s1  }
0x7: {  	s11 =	sadd.s32 $0xC8A00, s4;
	s29 =	sshll.u32 s1, $0x6;
	s30 =	smul.u32 $0x6300, s1  }
0x8: {  	_ =	strace $0x80000047;
	s7 =	ssub.s32 $0x2, s10;
	s8 =	sshll.u32 s10, $0x4  }
0x9: {  	s6 =	sor.u32 $0x1C03, s29;
	s14 =	smul.u32 $0x18C0, s10;
	p0 =	seq.s32 s10, $0x1  }
0xa: {  	s10 =	smul.u32 $0x63000, s10;
	s25 =	sshrl.u32 s5, $0x3;
	s26 =	sshrl.u32 s7, $0x1  }
0xb: {  	s28 =	sor.u32 s1, s8;
	s13 =	sadd.s32 s5, s2;
	s16 =	simm.s32 @!p0 $0x36200  }
0xc: {  	s12 =	sadd.s32 s25, s4;
	s4 =	sadd.s32 $0x5000, s4;
	s9 =	ssub.s32 s7, s26  }
0xd: {  	s8 =	smul.u32 $0x6300, s28;
	s14 =	sadd.s32 s15, s14;
	s17 =	sadd.s32 s10, s11  }
0xe: {  	s13 =	sshrl.u32 s13, $0x3;
	s15 =	simm.s32 $0x400;
	s5 =	sadd.s32 $0x5400, s12  }
0xf: {  	s14 =	sshll.u32 s14, $0x6;
	s10 =	sadd.s32 s16, s12;
	s31 =	sadd.s32 s30, s17  }
0x10: {  	s16 =	simm.s32 $0x200;
	s17 =	simm.s32 $0x1;
	s7 =	sadd.s32 s11, s8  }
0x11: {  	s8 =	smax.u32 s9, $0x1;
	s11 =	sadd.s32 s14, s11;
	s12 =	sadd.s32 $0x80, s31  }
0x12: {  	s14 =	simm.s32 $0x3;
	s9 =	sadd.s32 $0x40, s7;
	s11 =	sadd.s32 $0xC0, s11  }
.LBB2_1:
0x13: {  	[spmem:s13], [sflag:s6] =	dma.local [hbm:s5], $0x30E0  }
0x14: {  	_ =	swait.ge [sflag:s14], $0x30E0  }
0x15: {  	[sflag:s14] =	ssyncset.done $0x0  }
0x16: {  	[sflag:s14] =	ssyncadd.s32 $0xFFFFCF20  }
0x17: {  	[tilespmem:s15], [sflag:$0x3] =	stream.linear.gather [hbm4b:s4+s3], $0x2000, $0x38;
	[tilespmem:$0x1AB00] =	vst v63  }
0x18: {  	_ =	swait.ge [sflag:s14], $0x2000  }
0x19: {  	[sflag:s14] =	ssyncset.done $0x0  }
0x1a: {  	[sflag:s14] =	ssyncadd.s32 $0xFFFFE000  }
0x1b: {  	[bflag:$0x0] =	sbarrier.arrive $0xFFFF  }
0x1c: {  	[tilespmem:s3], [sflag:$0x3] =	stream.linear.gather [hbm4b:s7+s3], $0x200, $0x38;
	[tilespmem:$0x1AB00] =	vst v63  }
0x1d: {  	_ =	swait.ge [sflag:s14], $0x200  }
0x1e: {  	[sflag:s14] =	ssyncset.done $0x0  }
0x1f: {  	[sflag:s14] =	ssyncadd.s32 $0xFFFFFE00  }
0x20: {  	[spmem:s2] =	stream.indirect.scatter.add.f32 [tilespmem:s15], [sflag:$0x1], $0x10, s3, s16, $0xb8;
	[tilespmem:$0x1AB00] =	vst v63  }
0x21: {  	_ = 	snop  }
0x22: {  	[tilespmem:s16], [sflag:$0x3] =	stream.linear.gather [hbm4b:s9+s3], $0x200, $0x38;
	[tilespmem:$0x1AB00] =	vst v63  }
0x23: {  	_ =	swait.ge [sflag:s14], $0x200  }
0x24: {  	[sflag:s14] =	ssyncset.done $0x0  }
0x25: {  	[sflag:s14] =	ssyncadd.s32 $0xFFFFFE00  }
0x26: {  	[spmem:s2] =	stream.indirect.scatter.add.f32 [tilespmem:s15], [sflag:$0x2], $0x10, s16, s16, $0xb8;
	[tilespmem:$0x1AB00] =	vst v63  }
0x27: {  	_ =	swait.ge [sflag:s17], $0x2000  }
0x28: {  	[sflag:s17] =	ssyncset.done $0x0  }
0x29: {  	s20 =	sadd.s32 $0x0, s12;
	[sflag:s17] =	ssyncadd.s32 $0xFFFFE000  }
0x2a: {  	[tilespmem:s3], [sflag:$0x3] =	stream.linear.gather [hbm4b:s20+s3], $0x200, $0x38;
	[tilespmem:$0x1AB00] =	vst v63  }
0x2b: {  	_ =	swait.ge [sflag:s14], $0x200  }
0x2c: {  	[sflag:s14] =	ssyncset.done $0x0  }
0x2d: {  	[sflag:s14] =	ssyncadd.s32 $0xFFFFFE00  }
0x2e: {  	[spmem:s2] =	stream.indirect.scatter.add.f32 [tilespmem:s15], [sflag:$0x1], $0x10, s3, s16, $0xb8;
	[tilespmem:$0x1AB00] =	vst v63  }
0x2f: {  	_ =	swait.ge [sflag:s18], $0x2000  }
0x30: {  	[sflag:s18] =	ssyncset.done $0x0  }
0x31: {  	s31 =	sadd.s32 $0x0, s11;
	[sflag:s18] =	ssyncadd.s32 $0xFFFFE000  }
0x32: {  	[tilespmem:s16], [sflag:$0x3] =	stream.linear.gather [hbm4b:s31+s3], $0x200, $0x38;
	[tilespmem:$0x1AB00] =	vst v63  }
0x33: {  	_ =	swait.ge [sflag:s14], $0x200  }
0x34: {  	[sflag:s14] =	ssyncset.done $0x0  }
0x35: {  	s20 =	simm.s32 $0x80;
	[sflag:s14] =	ssyncadd.s32 $0xFFFFFE00  }
.LBB2_2:
0x36: {  	[spmem:s2] =	stream.indirect.scatter.add.f32 [tilespmem:s15], [sflag:$0x2], $0x10, s16, s16, $0xb8;
	[tilespmem:$0x1AB00] =	vst v63  }
0x37: {  	s21 =	smov.u32 s20  }
0x38: {  	p0 =	sne.s32 s20, $0x6200;
	s20 =	sadd.s32 $0x80, s20;
	_ =	swait.ge [sflag:s17], $0x2000  }
0x39: {  	[sflag:s17] =	ssyncset.done $0x0  }
0x3a: {  	s22 =	sadd.s32 s21, s12;
	[sflag:s17] =	ssyncadd.s32 $0xFFFFE000  }
0x3b: {  	[tilespmem:s3], [sflag:$0x3] =	stream.linear.gather [hbm4b:s22+s3], $0x200, $0x38;
	[tilespmem:$0x1AB00] =	vst v63  }
0x3c: {  	_ =	swait.ge [sflag:s14], $0x200  }
0x3d: {  	[sflag:s14] =	ssyncset.done $0x0  }
0x3e: {  	[sflag:s14] =	ssyncadd.s32 $0xFFFFFE00  }
0x3f: {  	[spmem:s2] =	stream.indirect.scatter.add.f32 [tilespmem:s15], [sflag:$0x1], $0x10, s3, s16, $0xb8;
	[tilespmem:$0x1AB00] =	vst v63  }
0x40: {  	_ =	swait.ge [sflag:s18], $0x2000  }
0x41: {  	[sflag:s18] =	ssyncset.done $0x0  }
.Ltmp0:
0x42: {  	s21 =	sadd.s32 s21, s11;
	[sflag:s18] =	ssyncadd.s32 $0xFFFFE000;
	(pc) =	sbr.rel @p0 .LBB2_2-.Ltmp0, $4  }
0x43: {  	[tilespmem:s16], [sflag:$0x3] =	stream.linear.gather [hbm4b:s21+s3], $0x200, $0x38;
	[tilespmem:$0x1AB00] =	vst v63  }
0x44: {  	_ =	swait.ge [sflag:s14], $0x200  }
0x45: {  	[sflag:s14] =	ssyncset.done $0x0  }
0x46: {  	[sflag:s14] =	ssyncadd.s32 $0xFFFFFE00  }
0x47: {  	[spmem:s2] =	stream.indirect.scatter.add.f32 [tilespmem:s15], [sflag:$0x2], $0x10, s16, s16, $0xb8;
	[tilespmem:$0x1AB00] =	vst v63  }
0x48: {  	_ =	swait.ge [sflag:s17], $0x2000  }
0x49: {  	[sflag:s17] =	ssyncset.done $0x0  }
0x4a: {  	[sflag:s17] =	ssyncadd.s32 $0xFFFFE000  }
0x4b: {  	_ =	swait.ge [sflag:s18], $0x2000  }
0x4c: {  	s19 =	sadd.s32 $0x1, s19;
	[sflag:s18] =	ssyncset.done $0x0  }
0x4d: {  	p0 =	sne.s32 s19, s8;
	[sflag:s18] =	ssyncadd.s32 $0xFFFFE000  }
.Ltmp1:
0x4e: {  	[bflag:$0x0] =	sbarrier.arrive $0xFFFF;
	(pc) =	sbr.rel @p0 .LBB2_1-.Ltmp1, $4  }
0x4f: {  	[hbm:s10], [sflag:s6] =	dma.local [spmem:s13], $0x30E0  }
0x50: {  	_ =	swait.ge [sflag:s14], $0x30E0  }
0x51: {  	[sflag:s14] =	ssyncset.done $0x0  }
0x52: {  	[sflag:s14] =	ssyncadd.s32 $0xFFFFCF20  }
0x53: {  	_ =	sfence.sel $0x180000  }
0x54: {  	[bflag:$0x0] =	sbarrier.arrive $0xFFFF  }
0x55: {  	p0 =	sne.s32 s1, $0x0;
	_ =	strace $0x90000047  }
0x56: {  	s0 =	sadd.s32 @!p0 $0x100000, s0;
	[bflag:$0x2] =	sbarrier.arrive $0xFFFF  }
0x57: {  	[sflag:s0] =	ssyncadd.tile.s32 @!p0 $0x1;
	_ =	shalt  }
.Lfunc_end2:
_tile_overlayer_lowered:
.L_overlay_start_2:
0x58: {  	(tag) =	ssettag $0x2  }
0x59: {  	s0 =	rddreg [dreg:$0x0];
	s2 =	stileid.u32  }
0x5a: {  	s1 =	rddreg [dreg:$0x1];
	p0 =	sne.s32 s2, $0x0  }
0x5b: {  	s3 =	rddreg [dreg:$0x2];
	[bflag:$0x3] =	sbarrier.arrive $0xFFFF;
	s2 =	simm.s32 @!p0 $0x1C03  }
0x5c: {  	[timem:s3], [sflag:s2] =	dma.local @!p0 [hbm:s0], s1  }
0x5d: {  	s0 =	simm.s32 @!p0 $0x3  }
0x5e: {  	_ =	swait.ge @!p0 [sflag:s0], s1  }
0x5f: {  	s1 =	ssub.s32 @!p0 $0x0, s1;
	[sflag:s0] =	ssyncset.done @!p0 $0x0  }
0x60: {  	[sflag:s0] =	ssyncadd.s32 @!p0 s1  }
0x61: {  	[bflag:$0x3] =	sbarrier.arrive $0xFFFF  }
0x62: {  	_ =	shalt  }

// kernel: kernel.13.cloned.1.call-start
scs
__scs_entry_jumppad:
0x0: {  	(pc) =	sbr.rel $0x88, $3  }
0x1: {  	(tag) =	ssettag $0x0;
	lr =	simm.s32 $0x1  }
0x2: {  	[smem:$0x3F99] =	sst lr;
	_ =	strace $0xD0000000  }
0x3: {  	_ = 	snop  }
0x4: {  	_ = 	snop  }
0x5: {  	_ = 	snop  }
0x6: {  	_ = 	snop  }
0x7: {  	_ = 	snop  }
__scs_overlays_trampoline_lowered:
0x8: {  	[smem:$0x3FA8] =	sst s0  }
0x9: {  	[smem:$0x3FA9] =	sst s1  }
0xa: {  	[smem:$0x3FAA] =	sst s2  }
0xb: {  	[smem:$0x3FAB] =	sst s3  }
0xc: {  	[smem:$0x3FAC] =	sst s4  }
0xd: {  	[smem:$0x3FAD] =	sst s5  }
0xe: {  	[smem:$0x3FAE] =	sst s6  }
0xf: {  	[smem:$0x3FAF] =	sst s7  }
0x10: {  	[smem:$0x3FB0] =	sst s8  }
0x11: {  	[smem:$0x3FB1] =	sst s9;
	s0 =	simm.s32 @!p0 $0x0  }
0x12: {  	s1 =	sld [smem:$0x3F97];
	s0 =	simm.s32 @p0 $0x1  }
0x13: {  	[smem:$0x3FB2] =	sst s0;
	s0 =	simm.s32 @!p1 $0x0  }
0x14: {  	s2 =	sld [smem:$0x3F96];
	s0 =	simm.s32 @p1 $0x1  }
0x15: {  	[smem:$0x3FB3] =	sst s0;
	s0 =	simm.s32 @!p2 $0x0  }
0x16: {  	s3 =	sld [smem:$0x3FDB];
	s0 =	simm.s32 @p2 $0x1  }
0x17: {  	s4 =	simm.s32 $0x1BF5;
	[smem:$0x3FB5] =	sst s0  }
0x18: {  	s0 =	sld [smem:$0x3F98];
	_ =	swait.ge [sflag:s4], $0x0  }
0x19: {  	s7 =	sld [smem:$0x3F99]  }
0x1a: {  	s8 =	sadd.s32 $0xFFFFE003, lr  }
0x1b: {  	s9 =	sadd.s32 $0xFFFFFEF7, lr;
	s5 =	simm.s32 $0xFFFFFFFF;
	p2 =	slt.u32 s8, $0xFFFFF086  }
0x1c: {  	p1 =	slt.u32 s9, $0xF7A;
	s5 =	simm.s32 @!p2 $0x0  }
0x1d: {  	s5 =	simm.s32 @p1 $0x1;
	p0 =	seq.s32 s7, s2  }
0x1e: {  	s7 =	smul.u32 @!p0 $0xF7A, s2;
	p2 =	seq.s32 @!p0 s5, $0x0  }
0x1f: {  	s9 =	smul.u32 $0xF7A, s1;
	s8 =	simm.s32 @!p0 $0x1BF5;
	p2 =	por !p2, p0  }
0x20: {  	[sflag:s8] =	ssyncset.s32 @!p0 $0xFFFFF086;
	s6 =	sadd.s32 @!p0 s3, s7;
	s7 =	simm.s32 @!p0 $0x108  }
0x21: {  	s3 =	sadd.s32 s3, s9;
	s6 =	sadd.s32 @!p0 $0x88, s6;
	s7 =	simm.s32 @p2 $0x1082  }
0x22: {  	[simem:s7], [sflag:s8] =	dma.local @!p0 [hbm:s6], $0xF7A  }
0x23: {  	s9 =	sor.u32 $0xD0000000, s2;
	s6 =	simm.s32 $0x108;
	_ =	swait.ge @!p0 [sflag:s8], $0x0  }
0x24: {  	s3 =	sadd.s32 $0x88, s3;
	s6 =	simm.s32 @!p1 $0x1082;
	[sflag:s4] =	ssyncset.s32 $0xFFFFF086  }
0x25: {  	[simem:s6], [sflag:s4] =	dma.local [hbm:s3], $0xF7A  }
0x26: {  	[smem:$0x3F99] =	sst s1;
	(tag) =	ssettag s2;
	_ =	strace s9  }
0x27: {  	s1 =	sld [smem:$0x3FA9]  }
0x28: {  	s2 =	sld [smem:$0x3FAA]  }
0x29: {  	s4 =	sld [smem:$0x3FAC]  }
0x2a: {  	p0 =	seq.s32 s5, $0x0;
	s5 =	sld [smem:$0x3FAD]  }
0x2b: {  	s6 =	sld [smem:$0x3FAE]  }
0x2c: {  	s7 =	sld [smem:$0x3FAF]  }
0x2d: {  	s3 =	simm.s32 $0x108;
	s8 =	sld [smem:$0x3FB0]  }
0x2e: {  	s3 =	simm.s32 @!p0 $0x1082;
	s9 =	sld [smem:$0x3FB1]  }
0x2f: {  	lr =	sadd.s32 s0, s3;
	s0 =	sld [smem:$0x3FA8]  }
0x30: {  	s3 =	sld [smem:$0x3FAB]  }
0x31: {  	[smem:$0x3FB4] =	sst s10  }
0x32: {  	s10 =	sld [smem:$0x3FB2];
	_ =	sdelay $0x3  }
0x33: {  	p0 =	seq.s32 s10, $0x1;
	s10 =	sld [smem:$0x3FB4];
	_ =	sdelay $0x3  }
0x34: {  	[smem:$0x3FB4] =	sst s10  }
0x35: {  	s10 =	sld [smem:$0x3FB3];
	_ =	sdelay $0x3  }
0x36: {  	p1 =	seq.s32 s10, $0x1;
	s10 =	sld [smem:$0x3FB4];
	_ =	sdelay $0x3  }
0x37: {  	[smem:$0x3FB4] =	sst s10  }
0x38: {  	s10 =	sld [smem:$0x3FB5]  }
0x39: {  	_ = 	snop;
	(pc) =	sbr.ind lr, $3  }
0x3a: {  	_ = 	snop  }
0x3b: {  	_ = 	snop  }
0x3c: {  	p2 =	seq.s32 s10, $0x1;
	s10 =	sld [smem:$0x3FB4]  }
0x3d: {  	_ =	shalt  }
0x3e: {  	_ =	shalt  }
0x3f: {  	_ =	shalt  }
0x40: {  	_ =	shalt  }
0x41: {  	_ =	shalt  }
0x42: {  	_ =	shalt  }
0x43: {  	_ =	shalt  }
0x44: {  	_ =	shalt  }
0x45: {  	_ =	shalt  }
0x46: {  	_ =	shalt  }
0x47: {  	_ =	shalt  }
0x48: {  	_ =	shalt  }
0x49: {  	_ =	shalt  }
0x4a: {  	_ =	shalt  }
0x4b: {  	_ =	shalt  }
0x4c: {  	_ =	shalt  }
0x4d: {  	_ =	shalt  }
0x4e: {  	_ =	shalt  }
0x4f: {  	_ =	shalt  }
0x50: {  	_ =	shalt  }
0x51: {  	_ =	shalt  }
0x52: {  	_ =	shalt  }
0x53: {  	_ =	shalt  }
0x54: {  	_ =	shalt  }
0x55: {  	_ =	shalt  }
0x56: {  	_ =	shalt  }
0x57: {  	_ =	shalt  }
0x58: {  	_ =	shalt  }
0x59: {  	_ =	shalt  }
0x5a: {  	_ =	shalt  }
0x5b: {  	_ =	shalt  }
0x5c: {  	_ =	shalt  }
0x5d: {  	_ =	shalt  }
0x5e: {  	_ =	shalt  }
0x5f: {  	_ =	shalt  }
0x60: {  	_ =	shalt  }
0x61: {  	_ =	shalt  }
0x62: {  	_ =	shalt  }
0x63: {  	_ =	shalt  }
0x64: {  	_ =	shalt  }
0x65: {  	_ =	shalt  }
0x66: {  	_ =	shalt  }
0x67: {  	_ =	shalt  }
0x68: {  	_ =	shalt  }
0x69: {  	_ =	shalt  }
0x6a: {  	_ =	shalt  }
0x6b: {  	_ =	shalt  }
0x6c: {  	_ =	shalt  }
0x6d: {  	_ =	shalt  }
0x6e: {  	_ =	shalt  }
0x6f: {  	_ =	shalt  }
0x70: {  	_ =	shalt  }
0x71: {  	_ =	shalt  }
0x72: {  	_ =	shalt  }
0x73: {  	_ =	shalt  }
0x74: {  	_ =	shalt  }
0x75: {  	_ =	shalt  }
0x76: {  	_ =	shalt  }
0x77: {  	_ =	shalt  }
0x78: {  	_ =	shalt  }
0x79: {  	_ =	shalt  }
0x7a: {  	_ =	shalt  }
0x7b: {  	_ =	shalt  }
0x7c: {  	_ =	shalt  }
0x7d: {  	_ =	shalt  }
0x7e: {  	_ =	shalt  }
0x7f: {  	_ =	shalt  }
0x80: {  	_ =	shalt  }
0x81: {  	_ =	shalt  }
0x82: {  	_ =	shalt  }
0x83: {  	_ =	shalt  }
0x84: {  	_ =	shalt  }
0x85: {  	_ =	shalt  }
0x86: {  	_ =	shalt  }
0x87: {  	_ =	shalt  }
.Lfunc_end0:
.L_simem_size_0:
called_computation.1_lowered:
.L_overlay_start_0:
0x88: {  	s2 =	sld [smem:$0x3FD9]  }
0x89: {  	s3 =	sld [smem:$0x3FFE];
	_ =	sdelay $0x1  }
0x8a: {  	s1 =	srdreg.scid  }
0x8b: {  	s0 =	sand.u32 $0x1, s1  }
0x8c: {  	s16 =	sshll.u32 s0, $0xA;
	s2 =	sadd.s32 s3, s2  }
0x8d: {  	s2 =	sadd.s32 s2, s16  }
0x8e: {  	[smem:$0x3FC0] =	sst s2  }
0x8f: {  	_ = 	snop  }
0x90: {  	(tm) =	ssettm $0x1  }
0x91: {  	s17 =	sld [smem:$0x3FFB];
	_ =	sdelay $0x3  }
0x92: {  	_ =	strace s17  }
0x93: {  	s2 =	sld [smem:$0x3FFC];
	_ =	sdelay $0x3  }
0x94: {  	_ =	strace s2  }
0x95: {  	s2 =	sld [smem:$0x3FFD];
	_ =	sdelay $0x3  }
0x96: {  	_ =	strace s2  }
0x97: {  	_ =	strace $0x8FFFFFFF  }
0x98: {  	s18 =	sld [smem:$0x3FDB];
	_ =	sdelay $0x1  }
0x99: {  	s19 =	simm.s32 $_scs_section_size  }
0x9a: {  	s4 =	simm.s32 $_size__tile_overlayer_lowered;
	s5 =	simm.s32 $_tile_overlayer_lowered  }
0x9b: {  	s22 =	simm.s32 $0x1BFF;
	s21 =	sshll.u32 s5, $0x1;
	s2 =	sadd.s32 s19, s18  }
0x9c: {  	s6 =	simm.s32 $0x0;
	s20 =	sshll.u32 s4, $0x1;
	s4 =	sadd.s32 s21, s2  }
0x9d: {  	[timem:s6], [sflag:s22] =	dma.local [hbm:s4], s20  }
0x9e: {  	_ =	swait.ge [sflag:s22], s20  }
0x9f: {  	s3 =	ssub.s32 $0x0, s20;
	[sflag:s22] =	ssyncset.done $0x0  }
0xa0: {  	[sflag:s22] =	ssyncadd.s32 s3;
	_ =	sdelay $0x1  }
0xa1: {  	s23 =	simm.s32 $0x1B8B  }
0xa2: {  	_ =	swait.ge [sflag:s23], $0x1  }
0xa3: {  	[sflag:s23] =	ssyncset.done $0x0  }
0xa4: {  	s25 =	simm.s32 $0x1B8E;
	s24 =	sld [smem:$0x3FFE];
	[sflag:s23] =	ssyncadd.s32 $0xFFFFFFFF  }
0xa5: {  	s26 =	simm.s32 $execute0_lowered;
	[smem:$0x3FD2] =	sst s25  }
0xa6: {  	s4 =	sshll.u32 s26, $0x1;
	_ =	strace $0x80000049;
	[dreg:$0x1] =	wrdreg $0xFFFFFFFF  }
0xa7: {  	s28 =	simm.s32 $_size_execute0_lowered;
	s2 =	sadd.s32 s2, s4;
	[dreg:$0x0] =	wrdreg $0x0  }
0xa8: {  	s4 =	sshll.u32 s28, $0x1;
	[dreg:$0x2] =	wrdreg s2  }
0xa9: {  	[dreg:$0x3] =	wrdreg s4  }
0xaa: {  	[dreg:$0x4] =	wrdreg $0xC0  }
0xab: {  	_ =	task [dreg:s6], $0x5FFFF  }
0xac: {  	[dreg:$0x1] =	wrdreg $0xFFFFFFFF  }
0xad: {  	[dreg:$0x0] =	wrdreg $0x60  }
0xae: {  	[dreg:$0x2] =	wrdreg s24  }
0xaf: {  	[dreg:$0x3] =	wrdreg $0x48000  }
0xb0: {  	[dreg:$0x4] =	wrdreg $0x9  }
0xb1: {  	_ =	task.clear_ibuf [dreg:s6], $0x5FFFF;
	_ =	strace $0x90000049  }
0xb2: {  	s29 =	simm.s32 $0x9;
	_ =	strace $0x8000004B  }
0xb3: {  	_ =	swait.ge [sflag:s29], $0x1  }
0xb4: {  	[sflag:s29] =	ssyncadd.s32 $0xFFFFFFFF  }
0xb5: {  	_ =	strace $0x9000004B  }
0xb6: {  	_ =	sfence  }
0xb7: {  	s30 =	sld [smem:$0x0];
	_ =	sdelay $0x2  }
0xb8: {  	s31 =	sshll.u32 s1, $0xD;
	s1 =	sshrl.u32 s1, $0x2  }
0xb9: {  	s3 =	sand.u32 $0x4000, s31;
	s1 =	sadd.s32 s1, s30  }
0xba: {  	s0 =	sor.u32 s3, s0;
	s1 =	sshll.u32 s1, $0x11  }
0xbb: {  	s0 =	sor.u32 s1, s0  }
0xbc: {  	s0 =	sadd.s32 $0x8F2B, s0  }
0xbd: {  	[sflag:s0] =	ssyncadd.remote.s32 $0x1  }
0xbe: {  	_ =	sfence.sel $0xFFFF  }
0xbf: {  	[dreg:$0x0] =	wrdreg $0xFFFFFFFF;
	(pc) =	sbr.abs _section_cstart, $3  }
0xc0: {  	[dreg:$0x1] =	wrdreg $0xFFFFFFFF  }
0xc1: {  	_ =	task.clear_ibuf [dreg:s6], $0x2FFFF;
	_ =	strace $0x9FFFFFFF  }
0xc2: {  	(tm) =	ssettm $0x7FFFFFFF  }
0xc3: {  	_ =	shalt  }
tec
execute0_lowered:
.L_overlay_start_1:
0x0: {  	(tag) =	ssettag $0x1  }
0x1: {  	s0 =	rddreg [dreg:$0x0]  }
0x2: {  	s1 =	rddreg [dreg:$0x1];
	s3 =	simm.s32 $0x0;
	s15 =	stileid.u32  }
0x3: {  	s4 =	srdreg.scid;
	s21 =	simm.s32 $0x400;
	s22 =	simm.s32 $0x200  }
0x4: {  	s23 =	simm.s32 $0x800;
	s28 =	simm.s32 $0x3;
	s29 =	simm.s32 $0x2  }
0x5: {  	s30 =	simm.s32 $0x4;
	s31 =	simm.s32 $0x0;
	[smem:$0x7FF] =	sst s3  }
0x6: {  	s2 =	sadd.s32 $0x1BF800, s0;
	s19 =	sadd.s32 $0xC8A00, s0;
	s5 =	smul.u32 $0x18700, s15  }
0x7: {  	s10 =	sand.u32 $0x1, s4;
	s4 =	sadd.s32 $0x18EA00, s0;
	s24 =	sshll.u32 s15, $0x6  }
0x8: {  	_ =	strace $0x8000004A;
	s6 =	ssub.s32 $0x2, s10;
	s7 =	sshll.u32 s10, $0x4  }
0x9: {  	s14 =	smul.u32 $0x18C0, s10;
	p0 =	seq.s32 s10, $0x1;
	s8 =	sshrl.u32 s5, $0x3  }
0xa: {  	s9 =	sshrl.u32 s6, $0x1;
	s7 =	sor.u32 s15, s7;
	s5 =	sadd.s32 s5, s1  }
0xb: {  	s15 =	smul.u32 $0x18C, s15;
	s0 =	sadd.s32 s8, s0;
	s11 =	ssub.s32 s6, s9  }
0xc: {  	s13 =	smul.u32 $0x6300, s7;
	[dreg:$0x3] =	wrdreg s5;
	s7 =	sor.u32 $0x1C05, s24  }
0xd: {  	s24 =	simm.s32 $0x600;
	s6 =	sadd.s32 $0x5400, s0;
	s10 =	smax.u32 s11, $0x1  }
0xe: {  	s14 =	sadd.s32 s15, s14;
	s15 =	simm.s32 $0x285800;
	s8 =	sadd.s32 s2, s13  }
0xf: {  	s9 =	sadd.s32 s19, s13;
	s12 =	sor.u32 $0x40, s13;
	s16 =	sor.u32 $0x80, s13  }
0x10: {  	s20 =	sshll.u32 s14, $0x6;
	s15 =	simm.s32 @!p0 $0x67000;
	s11 =	sadd.s32 s2, s12  }
.Ltmp0:
0x11: {  	s12 =	sadd.s32 s19, s12;
	s13 =	sadd.s32 s2, s16;
	(pc) =	sbr.rel .LBB2_1-.Ltmp0, $4  }
0x12: {  	s14 =	sadd.s32 s19, s16;
	s17 =	sadd.s32 $0x100, s20;
	s15 =	sadd.s32 s15, s0  }
0x13: {  	s25 =	sadd.s32 s20, s2;
	s26 =	sadd.s32 s20, s19;
	s20 =	simm.s32 $0x5  }
0x14: {  	s16 =	sadd.s32 s17, s2;
	s17 =	sadd.s32 s17, s19;
	s18 =	sadd.s32 $0xC0, s25  }
0x15: {  	s19 =	sadd.s32 $0xC0, s26;
	s25 =	simm.s32 $0x1;
	s26 =	simm.s32 $0x2800  }
.LBB2_4:
0x16: {  	_ =	swait.ge [sflag:s29], $0x2000  }
0x17: {  	[sflag:s29] =	ssyncset.done $0x0  }
0x18: {  	[sflag:s29] =	ssyncadd.s32 $0xFFFFE000  }
0x19: {  	[spmem:s1] =	stream.indirect.scatter.add.f32 [tilespmem:s26], [sflag:$0x4], $0x10, s24, s22, $0xb8;
	[tilespmem:$0x1CF00] =	vst v63  }
0x1a: {  	_ =	swait.ge [sflag:s30], $0x2000  }
0x1b: {  	s31 =	sadd.s32 $0x1, s31;
	[sflag:s30] =	ssyncset.done $0x0  }
0x1c: {  	p0 =	sne.s32 s31, s10;
	[sflag:s30] =	ssyncadd.s32 $0xFFFFE000  }
.Ltmp1:
0x1d: {  	[bflag:$0x0] =	sbarrier.arrive $0xFFFF;
	(pc) =	sbr.rel @!p0 .LBB2_5-.Ltmp1, $4  }
0x1e: {  	[hbm:s15], [sflag:s7] =	dma.local [spmem:s0], $0x30E0  }
0x1f: {  	_ =	swait.ge [sflag:s20], $0x30E0  }
0x20: {  	[sflag:s20] =	ssyncset.done $0x0  }
0x21: {  	[sflag:s20] =	ssyncadd.s32 $0xFFFFCF20  }
.LBB2_1:
0x22: {  	s0 =	rddreg [dreg:$0x3]  }
0x23: {  	s0 =	sshrl.u32 s0, $0x3  }
0x24: {  	[spmem:s0], [sflag:s7] =	dma.local [hbm:s6], $0x30E0  }
0x25: {  	_ =	swait.ge [sflag:s20], $0x30E0  }
0x26: {  	[sflag:s20] =	ssyncset.done $0x0  }
0x27: {  	[sflag:s20] =	ssyncadd.s32 $0xFFFFCF20  }
0x28: {  	[bflag:$0x0] =	sbarrier.arrive $0xFFFF  }
0x29: {  	[tilespmem:s3], [sflag:$0x5] =	stream.linear.gather [hbm4b:s8+s3], $0x200, $0x38;
	[tilespmem:$0x1CF00] =	vst v63  }
0x2a: {  	_ =	swait.ge [sflag:s20], $0x200  }
0x2b: {  	[sflag:s20] =	ssyncset.done $0x0  }
0x2c: {  	[sflag:s20] =	ssyncadd.s32 $0xFFFFFE00  }
0x2d: {  	[tilespmem:s21], [sflag:$0x5] =	stream.linear.gather [hbm4b:s9+s3], $0x200, $0x38;
	[tilespmem:$0x1CF00] =	vst v63  }
0x2e: {  	_ =	swait.ge [sflag:s20], $0x200  }
0x2f: {  	[sflag:s20] =	ssyncset.done $0x0  }
0x30: {  	[sflag:s20] =	ssyncadd.s32 $0xFFFFFE00  }
0x31: {  	[tilespmem:s23], [sflag:$0x1] =	stream.indirect.gather [hbm4b:s4+s22], $0x10, s3, s22, $0xb8;
	[tilespmem:$0x1CF00] =	vst v63  }
0x32: {  	_ = 	snop  }
0x33: {  	[tilespmem:s22], [sflag:$0x5] =	stream.linear.gather [hbm4b:s11+s3], $0x200, $0x38;
	[tilespmem:$0x1CF00] =	vst v63  }
0x34: {  	_ =	swait.ge [sflag:s20], $0x200  }
0x35: {  	[sflag:s20] =	ssyncset.done $0x0  }
0x36: {  	[sflag:s20] =	ssyncadd.s32 $0xFFFFFE00  }
0x37: {  	[tilespmem:s24], [sflag:$0x5] =	stream.linear.gather [hbm4b:s12+s3], $0x200, $0x38;
	[tilespmem:$0x1CF00] =	vst v63  }
0x38: {  	_ =	swait.ge [sflag:s20], $0x200  }
0x39: {  	[sflag:s20] =	ssyncset.done $0x0  }
0x3a: {  	[sflag:s20] =	ssyncadd.s32 $0xFFFFFE00  }
0x3b: {  	_ =	swait.ge [sflag:s25], $0x2000  }
0x3c: {  	[sflag:s25] =	ssyncset.done $0x0  }
0x3d: {  	[sflag:s25] =	ssyncadd.s32 $0xFFFFE000  }
0x3e: {  	[spmem:s1] =	stream.indirect.scatter.add.f32 [tilespmem:s23], [sflag:$0x3], $0x10, s21, s22, $0xb8;
	[tilespmem:$0x1CF00] =	vst v63  }
0x3f: {  	_ = 	snop  }
0x40: {  	[tilespmem:s26], [sflag:$0x2] =	stream.indirect.gather [hbm4b:s4+s22], $0x10, s22, s22, $0xb8;
	[tilespmem:$0x1CF00] =	vst v63  }
0x41: {  	_ =	swait.ge [sflag:s28], $0x2000  }
0x42: {  	[sflag:s28] =	ssyncset.done $0x0  }
0x43: {  	[sflag:s28] =	ssyncadd.s32 $0xFFFFE000  }
0x44: {  	[tilespmem:s3], [sflag:$0x5] =	stream.linear.gather [hbm4b:s13+s3], $0x200, $0x38;
	[tilespmem:$0x1CF00] =	vst v63  }
0x45: {  	_ =	swait.ge [sflag:s20], $0x200  }
0x46: {  	[sflag:s20] =	ssyncset.done $0x0  }
0x47: {  	[sflag:s20] =	ssyncadd.s32 $0xFFFFFE00  }
0x48: {  	[tilespmem:s21], [sflag:$0x5] =	stream.linear.gather [hbm4b:s14+s3], $0x200, $0x38;
	[tilespmem:$0x1CF00] =	vst v63  }
0x49: {  	_ =	swait.ge [sflag:s20], $0x200  }
0x4a: {  	[sflag:s20] =	ssyncset.done $0x0  }
0x4b: {  	[sflag:s20] =	ssyncadd.s32 $0xFFFFFE00  }
0x4c: {  	_ =	swait.ge [sflag:s29], $0x2000  }
0x4d: {  	[sflag:s29] =	ssyncset.done $0x0  }
0x4e: {  	[sflag:s29] =	ssyncadd.s32 $0xFFFFE000  }
0x4f: {  	[spmem:s1] =	stream.indirect.scatter.add.f32 [tilespmem:s26], [sflag:$0x4], $0x10, s24, s22, $0xb8;
	[tilespmem:$0x1CF00] =	vst v63  }
0x50: {  	s2 =	simm.s32 $0x0  }
0x51: {  	[tilespmem:s23], [sflag:$0x1] =	stream.indirect.gather [hbm4b:s4+s22], $0x10, s3, s22, $0xb8;
	[tilespmem:$0x1CF00] =	vst v63  }
.LBB2_2:
0x52: {  	_ =	swait.ge [sflag:s30], $0x2000  }
0x53: {  	[sflag:s30] =	ssyncset.done $0x0  }
0x54: {  	s5 =	sadd.s32 s2, s18;
	[sflag:s30] =	ssyncadd.s32 $0xFFFFE000  }
0x55: {  	[tilespmem:s22], [sflag:$0x5] =	stream.linear.gather [hbm4b:s5+s3], $0x200, $0x38;
	[tilespmem:$0x1CF00] =	vst v63  }
0x56: {  	_ =	swait.ge [sflag:s20], $0x200  }
0x57: {  	[sflag:s20] =	ssyncset.done $0x0  }
0x58: {  	s5 =	sadd.s32 s2, s19;
	[sflag:s20] =	ssyncadd.s32 $0xFFFFFE00  }
0x59: {  	[tilespmem:s24], [sflag:$0x5] =	stream.linear.gather [hbm4b:s5+s3], $0x200, $0x38;
	[tilespmem:$0x1CF00] =	vst v63  }
0x5a: {  	_ =	swait.ge [sflag:s20], $0x200  }
0x5b: {  	[sflag:s20] =	ssyncset.done $0x0  }
0x5c: {  	[sflag:s20] =	ssyncadd.s32 $0xFFFFFE00  }
0x5d: {  	_ =	swait.ge [sflag:s25], $0x2000  }
0x5e: {  	[sflag:s25] =	ssyncset.done $0x0  }
0x5f: {  	p0 =	seq.s32 s2, $0x6200;
	[sflag:s25] =	ssyncadd.s32 $0xFFFFE000  }
0x60: {  	[spmem:s1] =	stream.indirect.scatter.add.f32 [tilespmem:s23], [sflag:$0x3], $0x10, s21, s22, $0xb8;
	[tilespmem:$0x1CF00] =	vst v63  }
.Ltmp2:
0x61: {  	_ = 	snop;
	(pc) =	sbr.rel @p0 .LBB2_4-.Ltmp2, $4  }
0x62: {  	[tilespmem:s26], [sflag:$0x2] =	stream.indirect.gather [hbm4b:s4+s22], $0x10, s22, s22, $0xb8;
	[tilespmem:$0x1CF00] =	vst v63  }
0x63: {  	_ =	swait.ge [sflag:s28], $0x2000  }
0x64: {  	[sflag:s28] =	ssyncset.done $0x0  }
0x65: {  	[sflag:s28] =	ssyncadd.s32 $0xFFFFE000  }
0x66: {  	s5 =	sadd.s32 s2, s16  }
0x67: {  	[tilespmem:s3], [sflag:$0x5] =	stream.linear.gather [hbm4b:s5+s3], $0x200, $0x38;
	[tilespmem:$0x1CF00] =	vst v63  }
0x68: {  	_ =	swait.ge [sflag:s20], $0x200  }
0x69: {  	[sflag:s20] =	ssyncset.done $0x0  }
0x6a: {  	s5 =	sadd.s32 s2, s17;
	[sflag:s20] =	ssyncadd.s32 $0xFFFFFE00  }
0x6b: {  	[tilespmem:s21], [sflag:$0x5] =	stream.linear.gather [hbm4b:s5+s3], $0x200, $0x38;
	[tilespmem:$0x1CF00] =	vst v63  }
0x6c: {  	_ =	swait.ge [sflag:s20], $0x200  }
0x6d: {  	[sflag:s20] =	ssyncset.done $0x0  }
0x6e: {  	[sflag:s20] =	ssyncadd.s32 $0xFFFFFE00  }
0x6f: {  	_ =	swait.ge [sflag:s29], $0x2000  }
.Ltmp3:
0x70: {  	[sflag:s29] =	ssyncset.done $0x0;
	(pc) =	sbr.rel .LBB2_2-.Ltmp3, $4  }
0x71: {  	[sflag:s29] =	ssyncadd.s32 $0xFFFFE000  }
0x72: {  	[spmem:s1] =	stream.indirect.scatter.add.f32 [tilespmem:s26], [sflag:$0x4], $0x10, s24, s22, $0xb8;
	[tilespmem:$0x1CF00] =	vst v63  }
0x73: {  	s2 =	sadd.s32 $0x80, s2  }
0x74: {  	[tilespmem:s23], [sflag:$0x1] =	stream.indirect.gather [hbm4b:s4+s22], $0x10, s3, s22, $0xb8;
	[tilespmem:$0x1CF00] =	vst v63  }
.LBB2_5:
0x75: {  	_ =	sfence.sel $0x180000  }
0x76: {  	[bflag:$0x0] =	sbarrier.arrive $0xFFFF  }
0x77: {  	_ =	strace $0x9000004A  }
0x78: {  	s0 =	stileid.u32;
	[bflag:$0x2] =	sbarrier.arrive $0xFFFF  }
0x79: {  	p0 =	sne.s32 s0, $0x0;
	s0 =	rddreg [dreg:$0x2]  }
0x7a: {  	s0 =	sadd.s32 @!p0 $0x100000, s0  }
0x7b: {  	[sflag:s0] =	ssyncadd.tile.s32 @!p0 $0x1;
	_ =	shalt  }
.Lfunc_end2:
_tile_overlayer_lowered:
.L_overlay_start_2:
0x7c: {  	(tag) =	ssettag $0x2  }
0x7d: {  	s0 =	rddreg [dreg:$0x0];
	s2 =	stileid.u32  }
0x7e: {  	s1 =	rddreg [dreg:$0x1];
	p0 =	sne.s32 s2, $0x0  }
0x7f: {  	s3 =	rddreg [dreg:$0x2];
	[bflag:$0x3] =	sbarrier.arrive $0xFFFF;
	s2 =	simm.s32 @!p0 $0x1C05  }
0x80: {  	[timem:s3], [sflag:s2] =	dma.local @!p0 [hbm:s0], s1  }
0x81: {  	s0 =	simm.s32 @!p0 $0x5  }
0x82: {  	_ =	swait.ge @!p0 [sflag:s0], s1  }
0x83: {  	s1 =	ssub.s32 @!p0 $0x0, s1;
	[sflag:s0] =	ssyncset.done @!p0 $0x0  }
0x84: {  	[sflag:s0] =	ssyncadd.s32 @!p0 s1  }
0x85: {  	[bflag:$0x3] =	sbarrier.arrive $0xFFFF  }
0x86: {  	_ =	shalt  }

// kernel: kernel.16.cloned.1.call-start
scs
__scs_entry_jumppad:
0x0: {  	(pc) =	sbr.rel $0x88, $3  }
0x1: {  	(tag) =	ssettag $0x0;
	lr =	simm.s32 $0x1  }
0x2: {  	[smem:$0x3F99] =	sst lr;
	_ =	strace $0xD0000000  }
0x3: {  	_ = 	snop  }
0x4: {  	_ = 	snop  }
0x5: {  	_ = 	snop  }
0x6: {  	_ = 	snop  }
0x7: {  	_ = 	snop  }
__scs_overlays_trampoline_lowered:
0x8: {  	[smem:$0x3FA8] =	sst s0  }
0x9: {  	[smem:$0x3FA9] =	sst s1  }
0xa: {  	[smem:$0x3FAA] =	sst s2  }
0xb: {  	[smem:$0x3FAB] =	sst s3  }
0xc: {  	[smem:$0x3FAC] =	sst s4  }
0xd: {  	[smem:$0x3FAD] =	sst s5  }
0xe: {  	[smem:$0x3FAE] =	sst s6  }
0xf: {  	[smem:$0x3FAF] =	sst s7  }
0x10: {  	[smem:$0x3FB0] =	sst s8  }
0x11: {  	[smem:$0x3FB1] =	sst s9;
	s0 =	simm.s32 @!p0 $0x0  }
0x12: {  	s1 =	sld [smem:$0x3F97];
	s0 =	simm.s32 @p0 $0x1  }
0x13: {  	[smem:$0x3FB2] =	sst s0;
	s0 =	simm.s32 @!p1 $0x0  }
0x14: {  	s2 =	sld [smem:$0x3F96];
	s0 =	simm.s32 @p1 $0x1  }
0x15: {  	[smem:$0x3FB3] =	sst s0;
	s0 =	simm.s32 @!p2 $0x0  }
0x16: {  	s3 =	sld [smem:$0x3FDB];
	s0 =	simm.s32 @p2 $0x1  }
0x17: {  	s4 =	simm.s32 $0x1BF5;
	[smem:$0x3FB5] =	sst s0  }
0x18: {  	s0 =	sld [smem:$0x3F98];
	_ =	swait.ge [sflag:s4], $0x0  }
0x19: {  	s7 =	sld [smem:$0x3F99]  }
0x1a: {  	s8 =	sadd.s32 $0xFFFFE003, lr  }
0x1b: {  	s9 =	sadd.s32 $0xFFFFFEF7, lr;
	s5 =	simm.s32 $0xFFFFFFFF;
	p2 =	slt.u32 s8, $0xFFFFF086  }
0x1c: {  	p1 =	slt.u32 s9, $0xF7A;
	s5 =	simm.s32 @!p2 $0x0  }
0x1d: {  	s5 =	simm.s32 @p1 $0x1;
	p0 =	seq.s32 s7, s2  }
0x1e: {  	s7 =	smul.u32 @!p0 $0xF7A, s2;
	p2 =	seq.s32 @!p0 s5, $0x0  }
0x1f: {  	s9 =	smul.u32 $0xF7A, s1;
	s8 =	simm.s32 @!p0 $0x1BF5;
	p2 =	por !p2, p0  }
0x20: {  	[sflag:s8] =	ssyncset.s32 @!p0 $0xFFFFF086;
	s6 =	sadd.s32 @!p0 s3, s7;
	s7 =	simm.s32 @!p0 $0x108  }
0x21: {  	s3 =	sadd.s32 s3, s9;
	s6 =	sadd.s32 @!p0 $0x88, s6;
	s7 =	simm.s32 @p2 $0x1082  }
0x22: {  	[simem:s7], [sflag:s8] =	dma.local @!p0 [hbm:s6], $0xF7A  }
0x23: {  	s9 =	sor.u32 $0xD0000000, s2;
	s6 =	simm.s32 $0x108;
	_ =	swait.ge @!p0 [sflag:s8], $0x0  }
0x24: {  	s3 =	sadd.s32 $0x88, s3;
	s6 =	simm.s32 @!p1 $0x1082;
	[sflag:s4] =	ssyncset.s32 $0xFFFFF086  }
0x25: {  	[simem:s6], [sflag:s4] =	dma.local [hbm:s3], $0xF7A  }
0x26: {  	[smem:$0x3F99] =	sst s1;
	(tag) =	ssettag s2;
	_ =	strace s9  }
0x27: {  	s1 =	sld [smem:$0x3FA9]  }
0x28: {  	s2 =	sld [smem:$0x3FAA]  }
0x29: {  	s4 =	sld [smem:$0x3FAC]  }
0x2a: {  	p0 =	seq.s32 s5, $0x0;
	s5 =	sld [smem:$0x3FAD]  }
0x2b: {  	s6 =	sld [smem:$0x3FAE]  }
0x2c: {  	s7 =	sld [smem:$0x3FAF]  }
0x2d: {  	s3 =	simm.s32 $0x108;
	s8 =	sld [smem:$0x3FB0]  }
0x2e: {  	s3 =	simm.s32 @!p0 $0x1082;
	s9 =	sld [smem:$0x3FB1]  }
0x2f: {  	lr =	sadd.s32 s0, s3;
	s0 =	sld [smem:$0x3FA8]  }
0x30: {  	s3 =	sld [smem:$0x3FAB]  }
0x31: {  	[smem:$0x3FB4] =	sst s10  }
0x32: {  	s10 =	sld [smem:$0x3FB2];
	_ =	sdelay $0x3  }
0x33: {  	p0 =	seq.s32 s10, $0x1;
	s10 =	sld [smem:$0x3FB4];
	_ =	sdelay $0x3  }
0x34: {  	[smem:$0x3FB4] =	sst s10  }
0x35: {  	s10 =	sld [smem:$0x3FB3];
	_ =	sdelay $0x3  }
0x36: {  	p1 =	seq.s32 s10, $0x1;
	s10 =	sld [smem:$0x3FB4];
	_ =	sdelay $0x3  }
0x37: {  	[smem:$0x3FB4] =	sst s10  }
0x38: {  	s10 =	sld [smem:$0x3FB5]  }
0x39: {  	_ = 	snop;
	(pc) =	sbr.ind lr, $3  }
0x3a: {  	_ = 	snop  }
0x3b: {  	_ = 	snop  }
0x3c: {  	p2 =	seq.s32 s10, $0x1;
	s10 =	sld [smem:$0x3FB4]  }
0x3d: {  	_ =	shalt  }
0x3e: {  	_ =	shalt  }
0x3f: {  	_ =	shalt  }
0x40: {  	_ =	shalt  }
0x41: {  	_ =	shalt  }
0x42: {  	_ =	shalt  }
0x43: {  	_ =	shalt  }
0x44: {  	_ =	shalt  }
0x45: {  	_ =	shalt  }
0x46: {  	_ =	shalt  }
0x47: {  	_ =	shalt  }
0x48: {  	_ =	shalt  }
0x49: {  	_ =	shalt  }
0x4a: {  	_ =	shalt  }
0x4b: {  	_ =	shalt  }
0x4c: {  	_ =	shalt  }
0x4d: {  	_ =	shalt  }
0x4e: {  	_ =	shalt  }
0x4f: {  	_ =	shalt  }
0x50: {  	_ =	shalt  }
0x51: {  	_ =	shalt  }
0x52: {  	_ =	shalt  }
0x53: {  	_ =	shalt  }
0x54: {  	_ =	shalt  }
0x55: {  	_ =	shalt  }
0x56: {  	_ =	shalt  }
0x57: {  	_ =	shalt  }
0x58: {  	_ =	shalt  }
0x59: {  	_ =	shalt  }
0x5a: {  	_ =	shalt  }
0x5b: {  	_ =	shalt  }
0x5c: {  	_ =	shalt  }
0x5d: {  	_ =	shalt  }
0x5e: {  	_ =	shalt  }
0x5f: {  	_ =	shalt  }
0x60: {  	_ =	shalt  }
0x61: {  	_ =	shalt  }
0x62: {  	_ =	shalt  }
0x63: {  	_ =	shalt  }
0x64: {  	_ =	shalt  }
0x65: {  	_ =	shalt  }
0x66: {  	_ =	shalt  }
0x67: {  	_ =	shalt  }
0x68: {  	_ =	shalt  }
0x69: {  	_ =	shalt  }
0x6a: {  	_ =	shalt  }
0x6b: {  	_ =	shalt  }
0x6c: {  	_ =	shalt  }
0x6d: {  	_ =	shalt  }
0x6e: {  	_ =	shalt  }
0x6f: {  	_ =	shalt  }
0x70: {  	_ =	shalt  }
0x71: {  	_ =	shalt  }
0x72: {  	_ =	shalt  }
0x73: {  	_ =	shalt  }
0x74: {  	_ =	shalt  }
0x75: {  	_ =	shalt  }
0x76: {  	_ =	shalt  }
0x77: {  	_ =	shalt  }
0x78: {  	_ =	shalt  }
0x79: {  	_ =	shalt  }
0x7a: {  	_ =	shalt  }
0x7b: {  	_ =	shalt  }
0x7c: {  	_ =	shalt  }
0x7d: {  	_ =	shalt  }
0x7e: {  	_ =	shalt  }
0x7f: {  	_ =	shalt  }
0x80: {  	_ =	shalt  }
0x81: {  	_ =	shalt  }
0x82: {  	_ =	shalt  }
0x83: {  	_ =	shalt  }
0x84: {  	_ =	shalt  }
0x85: {  	_ =	shalt  }
0x86: {  	_ =	shalt  }
0x87: {  	_ =	shalt  }
.Lfunc_end0:
.L_simem_size_0:
called_computation.2_lowered:
.L_overlay_start_0:
0x88: {  	s2 =	sld [smem:$0x3FD9]  }
0x89: {  	s3 =	sld [smem:$0x3FFE];
	_ =	sdelay $0x1  }
0x8a: {  	s1 =	srdreg.scid  }
0x8b: {  	s0 =	sand.u32 $0x1, s1  }
0x8c: {  	s16 =	sshll.u32 s0, $0xA;
	s2 =	sadd.s32 s3, s2  }
0x8d: {  	s2 =	sadd.s32 s2, s16  }
0x8e: {  	[smem:$0x3FC0] =	sst s2  }
0x8f: {  	_ = 	snop  }
0x90: {  	(tm) =	ssettm $0x1  }
0x91: {  	s17 =	sld [smem:$0x3FFB];
	_ =	sdelay $0x3  }
0x92: {  	_ =	strace s17  }
0x93: {  	s2 =	sld [smem:$0x3FFC];
	_ =	sdelay $0x3  }
0x94: {  	_ =	strace s2  }
0x95: {  	s2 =	sld [smem:$0x3FFD];
	_ =	sdelay $0x3  }
0x96: {  	_ =	strace s2  }
0x97: {  	_ =	strace $0x8FFFFFFF  }
0x98: {  	s18 =	sld [smem:$0x3FDB];
	_ =	sdelay $0x1  }
0x99: {  	s19 =	simm.s32 $_scs_section_size  }
0x9a: {  	s4 =	simm.s32 $_size__tile_overlayer_lowered;
	s5 =	simm.s32 $_tile_overlayer_lowered  }
0x9b: {  	s22 =	simm.s32 $0x1BFF;
	s21 =	sshll.u32 s5, $0x1;
	s2 =	sadd.s32 s19, s18  }
0x9c: {  	s6 =	simm.s32 $0x0;
	s20 =	sshll.u32 s4, $0x1;
	s4 =	sadd.s32 s21, s2  }
0x9d: {  	[timem:s6], [sflag:s22] =	dma.local [hbm:s4], s20  }
0x9e: {  	_ =	swait.ge [sflag:s22], s20  }
0x9f: {  	s3 =	ssub.s32 $0x0, s20;
	[sflag:s22] =	ssyncset.done $0x0  }
0xa0: {  	[sflag:s22] =	ssyncadd.s32 s3;
	_ =	sdelay $0x1  }
0xa1: {  	s23 =	simm.s32 $0x1B8B  }
0xa2: {  	_ =	swait.ge [sflag:s23], $0x1  }
0xa3: {  	[sflag:s23] =	ssyncset.done $0x0  }
0xa4: {  	s25 =	simm.s32 $0x1B8E;
	s24 =	sld [smem:$0x3FFE];
	[sflag:s23] =	ssyncadd.s32 $0xFFFFFFFF  }
0xa5: {  	s26 =	simm.s32 $execute0_lowered;
	[smem:$0x3FD2] =	sst s25  }
0xa6: {  	s4 =	sshll.u32 s26, $0x1;
	_ =	strace $0x8000004C;
	[dreg:$0x1] =	wrdreg $0xFFFFFFFF  }
0xa7: {  	s28 =	simm.s32 $_size_execute0_lowered;
	s2 =	sadd.s32 s2, s4;
	[dreg:$0x0] =	wrdreg $0x0  }
0xa8: {  	s4 =	sshll.u32 s28, $0x1;
	[dreg:$0x2] =	wrdreg s2  }
0xa9: {  	[dreg:$0x3] =	wrdreg s4  }
0xaa: {  	[dreg:$0x4] =	wrdreg $0xC0  }
0xab: {  	_ =	task [dreg:s6], $0x5FFFF  }
0xac: {  	[dreg:$0x1] =	wrdreg $0xFFFFFFFF  }
0xad: {  	[dreg:$0x0] =	wrdreg $0x60  }
0xae: {  	[dreg:$0x2] =	wrdreg s24  }
0xaf: {  	[dreg:$0x3] =	wrdreg $0x48000  }
0xb0: {  	[dreg:$0x4] =	wrdreg $0x9  }
0xb1: {  	_ =	task.clear_ibuf [dreg:s6], $0x5FFFF;
	_ =	strace $0x9000004C  }
0xb2: {  	s29 =	simm.s32 $0x9;
	_ =	strace $0x8000004E  }
0xb3: {  	_ =	swait.ge [sflag:s29], $0x1  }
0xb4: {  	[sflag:s29] =	ssyncadd.s32 $0xFFFFFFFF  }
0xb5: {  	_ =	strace $0x9000004E  }
0xb6: {  	_ =	sfence  }
0xb7: {  	s30 =	sld [smem:$0x0];
	_ =	sdelay $0x2  }
0xb8: {  	s31 =	sshll.u32 s1, $0xD;
	s1 =	sshrl.u32 s1, $0x2  }
0xb9: {  	s3 =	sand.u32 $0x4000, s31;
	s1 =	sadd.s32 s1, s30  }
0xba: {  	s0 =	sor.u32 s3, s0;
	s1 =	sshll.u32 s1, $0x11  }
0xbb: {  	s0 =	sor.u32 s1, s0  }
0xbc: {  	s0 =	sadd.s32 $0x8F2B, s0  }
0xbd: {  	[sflag:s0] =	ssyncadd.remote.s32 $0x1  }
0xbe: {  	_ =	sfence.sel $0xFFFF  }
0xbf: {  	[dreg:$0x0] =	wrdreg $0xFFFFFFFF;
	(pc) =	sbr.abs _section_cstart, $3  }
0xc0: {  	[dreg:$0x1] =	wrdreg $0xFFFFFFFF  }
0xc1: {  	_ =	task.clear_ibuf [dreg:s6], $0x2FFFF;
	_ =	strace $0x9FFFFFFF  }
0xc2: {  	(tm) =	ssettm $0x7FFFFFFF  }
0xc3: {  	_ =	shalt  }
tec
execute0_lowered:
.L_overlay_start_1:
0x0: {  	(tag) =	ssettag $0x1  }
0x1: {  	s0 =	rddreg [dreg:$0x0]  }
0x2: {  	s1 =	rddreg [dreg:$0x1];
	s3 =	simm.s32 $0x0;
	s15 =	stileid.u32  }
0x3: {  	s4 =	srdreg.scid;
	s21 =	simm.s32 $0x400;
	s22 =	simm.s32 $0x200  }
0x4: {  	s23 =	simm.s32 $0x800;
	s28 =	simm.s32 $0x3;
	s29 =	simm.s32 $0x2  }
0x5: {  	s30 =	simm.s32 $0x4;
	s31 =	simm.s32 $0x0;
	[smem:$0x7FF] =	sst s3  }
0x6: {  	s2 =	sadd.s32 $0x1BF800, s0;
	s19 =	sadd.s32 $0xC8A00, s0;
	s5 =	smul.u32 $0x18700, s15  }
0x7: {  	s10 =	sand.u32 $0x1, s4;
	s4 =	sadd.s32 $0x18EA00, s0;
	s24 =	sshll.u32 s15, $0x6  }
0x8: {  	_ =	strace $0x8000004D;
	s6 =	ssub.s32 $0x2, s10;
	s7 =	sshll.u32 s10, $0x4  }
0x9: {  	s14 =	smul.u32 $0x18C0, s10;
	p0 =	seq.s32 s10, $0x1;
	s8 =	sshrl.u32 s5, $0x3  }
0xa: {  	s9 =	sshrl.u32 s6, $0x1;
	s7 =	sor.u32 s15, s7;
	s5 =	sadd.s32 s5, s1  }
0xb: {  	s15 =	smul.u32 $0x18C, s15;
	s0 =	sadd.s32 s8, s0;
	s11 =	ssub.s32 s6, s9  }
0xc: {  	s13 =	smul.u32 $0x6300, s7;
	[dreg:$0x3] =	wrdreg s5;
	s7 =	sor.u32 $0x1C05, s24  }
0xd: {  	s24 =	simm.s32 $0x600;
	s6 =	sadd.s32 $0x5400, s0;
	s10 =	smax.u32 s11, $0x1  }
0xe: {  	s14 =	sadd.s32 s15, s14;
	s15 =	simm.s32 $0x285800;
	s8 =	sadd.s32 s2, s13  }
0xf: {  	s9 =	sadd.s32 s19, s13;
	s12 =	sor.u32 $0x40, s13;
	s16 =	sor.u32 $0x80, s13  }
0x10: {  	s20 =	sshll.u32 s14, $0x6;
	s15 =	simm.s32 @!p0 $0x67000;
	s11 =	sadd.s32 s2, s12  }
.Ltmp0:
0x11: {  	s12 =	sadd.s32 s19, s12;
	s13 =	sadd.s32 s2, s16;
	(pc) =	sbr.rel .LBB2_1-.Ltmp0, $4  }
0x12: {  	s14 =	sadd.s32 s19, s16;
	s17 =	sadd.s32 $0x100, s20;
	s15 =	sadd.s32 s15, s0  }
0x13: {  	s25 =	sadd.s32 s20, s2;
	s26 =	sadd.s32 s20, s19;
	s20 =	simm.s32 $0x5  }
0x14: {  	s16 =	sadd.s32 s17, s2;
	s17 =	sadd.s32 s17, s19;
	s18 =	sadd.s32 $0xC0, s25  }
0x15: {  	s19 =	sadd.s32 $0xC0, s26;
	s25 =	simm.s32 $0x1;
	s26 =	simm.s32 $0x2800  }
.LBB2_4:
0x16: {  	_ =	swait.ge [sflag:s29], $0x2000  }
0x17: {  	[sflag:s29] =	ssyncset.done $0x0  }
0x18: {  	[sflag:s29] =	ssyncadd.s32 $0xFFFFE000  }
0x19: {  	[spmem:s1] =	stream.indirect.scatter.add.f32 [tilespmem:s26], [sflag:$0x4], $0x10, s24, s22, $0xb8;
	[tilespmem:$0x1CF00] =	vst v63  }
0x1a: {  	_ =	swait.ge [sflag:s30], $0x2000  }
0x1b: {  	s31 =	sadd.s32 $0x1, s31;
	[sflag:s30] =	ssyncset.done $0x0  }
0x1c: {  	p0 =	sne.s32 s31, s10;
	[sflag:s30] =	ssyncadd.s32 $0xFFFFE000  }
.Ltmp1:
0x1d: {  	[bflag:$0x0] =	sbarrier.arrive $0xFFFF;
	(pc) =	sbr.rel @!p0 .LBB2_5-.Ltmp1, $4  }
0x1e: {  	[hbm:s15], [sflag:s7] =	dma.local [spmem:s0], $0x30E0  }
0x1f: {  	_ =	swait.ge [sflag:s20], $0x30E0  }
0x20: {  	[sflag:s20] =	ssyncset.done $0x0  }
0x21: {  	[sflag:s20] =	ssyncadd.s32 $0xFFFFCF20  }
.LBB2_1:
0x22: {  	s0 =	rddreg [dreg:$0x3]  }
0x23: {  	s0 =	sshrl.u32 s0, $0x3  }
0x24: {  	[spmem:s0], [sflag:s7] =	dma.local [hbm:s6], $0x30E0  }
0x25: {  	_ =	swait.ge [sflag:s20], $0x30E0  }
0x26: {  	[sflag:s20] =	ssyncset.done $0x0  }
0x27: {  	[sflag:s20] =	ssyncadd.s32 $0xFFFFCF20  }
0x28: {  	[bflag:$0x0] =	sbarrier.arrive $0xFFFF  }
0x29: {  	[tilespmem:s3], [sflag:$0x5] =	stream.linear.gather [hbm4b:s8+s3], $0x200, $0x38;
	[tilespmem:$0x1CF00] =	vst v63  }
0x2a: {  	_ =	swait.ge [sflag:s20], $0x200  }
0x2b: {  	[sflag:s20] =	ssyncset.done $0x0  }
0x2c: {  	[sflag:s20] =	ssyncadd.s32 $0xFFFFFE00  }
0x2d: {  	[tilespmem:s21], [sflag:$0x5] =	stream.linear.gather [hbm4b:s9+s3], $0x200, $0x38;
	[tilespmem:$0x1CF00] =	vst v63  }
0x2e: {  	_ =	swait.ge [sflag:s20], $0x200  }
0x2f: {  	[sflag:s20] =	ssyncset.done $0x0  }
0x30: {  	[sflag:s20] =	ssyncadd.s32 $0xFFFFFE00  }
0x31: {  	[tilespmem:s23], [sflag:$0x1] =	stream.indirect.gather [hbm4b:s4+s22], $0x10, s3, s22, $0xb8;
	[tilespmem:$0x1CF00] =	vst v63  }
0x32: {  	_ = 	snop  }
0x33: {  	[tilespmem:s22], [sflag:$0x5] =	stream.linear.gather [hbm4b:s11+s3], $0x200, $0x38;
	[tilespmem:$0x1CF00] =	vst v63  }
0x34: {  	_ =	swait.ge [sflag:s20], $0x200  }
0x35: {  	[sflag:s20] =	ssyncset.done $0x0  }
0x36: {  	[sflag:s20] =	ssyncadd.s32 $0xFFFFFE00  }
0x37: {  	[tilespmem:s24], [sflag:$0x5] =	stream.linear.gather [hbm4b:s12+s3], $0x200, $0x38;
	[tilespmem:$0x1CF00] =	vst v63  }
0x38: {  	_ =	swait.ge [sflag:s20], $0x200  }
0x39: {  	[sflag:s20] =	ssyncset.done $0x0  }
0x3a: {  	[sflag:s20] =	ssyncadd.s32 $0xFFFFFE00  }
0x3b: {  	_ =	swait.ge [sflag:s25], $0x2000  }
0x3c: {  	[sflag:s25] =	ssyncset.done $0x0  }
0x3d: {  	[sflag:s25] =	ssyncadd.s32 $0xFFFFE000  }
0x3e: {  	[spmem:s1] =	stream.indirect.scatter.add.f32 [tilespmem:s23], [sflag:$0x3], $0x10, s21, s22, $0xb8;
	[tilespmem:$0x1CF00] =	vst v63  }
0x3f: {  	_ = 	snop  }
0x40: {  	[tilespmem:s26], [sflag:$0x2] =	stream.indirect.gather [hbm4b:s4+s22], $0x10, s22, s22, $0xb8;
	[tilespmem:$0x1CF00] =	vst v63  }
0x41: {  	_ =	swait.ge [sflag:s28], $0x2000  }
0x42: {  	[sflag:s28] =	ssyncset.done $0x0  }
0x43: {  	[sflag:s28] =	ssyncadd.s32 $0xFFFFE000  }
0x44: {  	[tilespmem:s3], [sflag:$0x5] =	stream.linear.gather [hbm4b:s13+s3], $0x200, $0x38;
	[tilespmem:$0x1CF00] =	vst v63  }
0x45: {  	_ =	swait.ge [sflag:s20], $0x200  }
0x46: {  	[sflag:s20] =	ssyncset.done $0x0  }
0x47: {  	[sflag:s20] =	ssyncadd.s32 $0xFFFFFE00  }
0x48: {  	[tilespmem:s21], [sflag:$0x5] =	stream.linear.gather [hbm4b:s14+s3], $0x200, $0x38;
	[tilespmem:$0x1CF00] =	vst v63  }
0x49: {  	_ =	swait.ge [sflag:s20], $0x200  }
0x4a: {  	[sflag:s20] =	ssyncset.done $0x0  }
0x4b: {  	[sflag:s20] =	ssyncadd.s32 $0xFFFFFE00  }
0x4c: {  	_ =	swait.ge [sflag:s29], $0x2000  }
0x4d: {  	[sflag:s29] =	ssyncset.done $0x0  }
0x4e: {  	[sflag:s29] =	ssyncadd.s32 $0xFFFFE000  }
0x4f: {  	[spmem:s1] =	stream.indirect.scatter.add.f32 [tilespmem:s26], [sflag:$0x4], $0x10, s24, s22, $0xb8;
	[tilespmem:$0x1CF00] =	vst v63  }
0x50: {  	s2 =	simm.s32 $0x0  }
0x51: {  	[tilespmem:s23], [sflag:$0x1] =	stream.indirect.gather [hbm4b:s4+s22], $0x10, s3, s22, $0xb8;
	[tilespmem:$0x1CF00] =	vst v63  }
.LBB2_2:
0x52: {  	_ =	swait.ge [sflag:s30], $0x2000  }
0x53: {  	[sflag:s30] =	ssyncset.done $0x0  }
0x54: {  	s5 =	sadd.s32 s2, s18;
	[sflag:s30] =	ssyncadd.s32 $0xFFFFE000  }
0x55: {  	[tilespmem:s22], [sflag:$0x5] =	stream.linear.gather [hbm4b:s5+s3], $0x200, $0x38;
	[tilespmem:$0x1CF00] =	vst v63  }
0x56: {  	_ =	swait.ge [sflag:s20], $0x200  }
0x57: {  	[sflag:s20] =	ssyncset.done $0x0  }
0x58: {  	s5 =	sadd.s32 s2, s19;
	[sflag:s20] =	ssyncadd.s32 $0xFFFFFE00  }
0x59: {  	[tilespmem:s24], [sflag:$0x5] =	stream.linear.gather [hbm4b:s5+s3], $0x200, $0x38;
	[tilespmem:$0x1CF00] =	vst v63  }
0x5a: {  	_ =	swait.ge [sflag:s20], $0x200  }
0x5b: {  	[sflag:s20] =	ssyncset.done $0x0  }
0x5c: {  	[sflag:s20] =	ssyncadd.s32 $0xFFFFFE00  }
0x5d: {  	_ =	swait.ge [sflag:s25], $0x2000  }
0x5e: {  	[sflag:s25] =	ssyncset.done $0x0  }
0x5f: {  	p0 =	seq.s32 s2, $0x6200;
	[sflag:s25] =	ssyncadd.s32 $0xFFFFE000  }
0x60: {  	[spmem:s1] =	stream.indirect.scatter.add.f32 [tilespmem:s23], [sflag:$0x3], $0x10, s21, s22, $0xb8;
	[tilespmem:$0x1CF00] =	vst v63  }
.Ltmp2:
0x61: {  	_ = 	snop;
	(pc) =	sbr.rel @p0 .LBB2_4-.Ltmp2, $4  }
0x62: {  	[tilespmem:s26], [sflag:$0x2] =	stream.indirect.gather [hbm4b:s4+s22], $0x10, s22, s22, $0xb8;
	[tilespmem:$0x1CF00] =	vst v63  }
0x63: {  	_ =	swait.ge [sflag:s28], $0x2000  }
0x64: {  	[sflag:s28] =	ssyncset.done $0x0  }
0x65: {  	[sflag:s28] =	ssyncadd.s32 $0xFFFFE000  }
0x66: {  	s5 =	sadd.s32 s2, s16  }
0x67: {  	[tilespmem:s3], [sflag:$0x5] =	stream.linear.gather [hbm4b:s5+s3], $0x200, $0x38;
	[tilespmem:$0x1CF00] =	vst v63  }
0x68: {  	_ =	swait.ge [sflag:s20], $0x200  }
0x69: {  	[sflag:s20] =	ssyncset.done $0x0  }
0x6a: {  	s5 =	sadd.s32 s2, s17;
	[sflag:s20] =	ssyncadd.s32 $0xFFFFFE00  }
0x6b: {  	[tilespmem:s21], [sflag:$0x5] =	stream.linear.gather [hbm4b:s5+s3], $0x200, $0x38;
	[tilespmem:$0x1CF00] =	vst v63  }
0x6c: {  	_ =	swait.ge [sflag:s20], $0x200  }
0x6d: {  	[sflag:s20] =	ssyncset.done $0x0  }
0x6e: {  	[sflag:s20] =	ssyncadd.s32 $0xFFFFFE00  }
0x6f: {  	_ =	swait.ge [sflag:s29], $0x2000  }
.Ltmp3:
0x70: {  	[sflag:s29] =	ssyncset.done $0x0;
	(pc) =	sbr.rel .LBB2_2-.Ltmp3, $4  }
0x71: {  	[sflag:s29] =	ssyncadd.s32 $0xFFFFE000  }
0x72: {  	[spmem:s1] =	stream.indirect.scatter.add.f32 [tilespmem:s26], [sflag:$0x4], $0x10, s24, s22, $0xb8;
	[tilespmem:$0x1CF00] =	vst v63  }
0x73: {  	s2 =	sadd.s32 $0x80, s2  }
0x74: {  	[tilespmem:s23], [sflag:$0x1] =	stream.indirect.gather [hbm4b:s4+s22], $0x10, s3, s22, $0xb8;
	[tilespmem:$0x1CF00] =	vst v63  }
.LBB2_5:
0x75: {  	_ =	sfence.sel $0x180000  }
0x76: {  	[bflag:$0x0] =	sbarrier.arrive $0xFFFF  }
0x77: {  	_ =	strace $0x9000004D  }
0x78: {  	s0 =	stileid.u32;
	[bflag:$0x2] =	sbarrier.arrive $0xFFFF  }
0x79: {  	p0 =	sne.s32 s0, $0x0;
	s0 =	rddreg [dreg:$0x2]  }
0x7a: {  	s0 =	sadd.s32 @!p0 $0x100000, s0  }
0x7b: {  	[sflag:s0] =	ssyncadd.tile.s32 @!p0 $0x1;
	_ =	shalt  }
.Lfunc_end2:
_tile_overlayer_lowered:
.L_overlay_start_2:
0x7c: {  	(tag) =	ssettag $0x2  }
0x7d: {  	s0 =	rddreg [dreg:$0x0];
	s2 =	stileid.u32  }
0x7e: {  	s1 =	rddreg [dreg:$0x1];
	p0 =	sne.s32 s2, $0x0  }
0x7f: {  	s3 =	rddreg [dreg:$0x2];
	[bflag:$0x3] =	sbarrier.arrive $0xFFFF;
	s2 =	simm.s32 @!p0 $0x1C05  }
0x80: {  	[timem:s3], [sflag:s2] =	dma.local @!p0 [hbm:s0], s1  }
0x81: {  	s0 =	simm.s32 @!p0 $0x5  }
0x82: {  	_ =	swait.ge @!p0 [sflag:s0], s1  }
0x83: {  	s1 =	ssub.s32 @!p0 $0x0, s1;
	[sflag:s0] =	ssyncset.done @!p0 $0x0  }
0x84: {  	[sflag:s0] =	ssyncadd.s32 @!p0 s1  }
0x85: {  	[bflag:$0x3] =	sbarrier.arrive $0xFFFF  }
0x86: {  	_ =	shalt  }

// kernel: kernel.19.cloned.1.call-start
scs
__scs_entry_jumppad:
0x0: {  	(pc) =	sbr.rel $0x88, $3  }
0x1: {  	(tag) =	ssettag $0x0;
	lr =	simm.s32 $0x1  }
0x2: {  	[smem:$0x3F99] =	sst lr;
	_ =	strace $0xD0000000  }
0x3: {  	_ = 	snop  }
0x4: {  	_ = 	snop  }
0x5: {  	_ = 	snop  }
0x6: {  	_ = 	snop  }
0x7: {  	_ = 	snop  }
__scs_overlays_trampoline_lowered:
0x8: {  	[smem:$0x3FA8] =	sst s0  }
0x9: {  	[smem:$0x3FA9] =	sst s1  }
0xa: {  	[smem:$0x3FAA] =	sst s2  }
0xb: {  	[smem:$0x3FAB] =	sst s3  }
0xc: {  	[smem:$0x3FAC] =	sst s4  }
0xd: {  	[smem:$0x3FAD] =	sst s5  }
0xe: {  	[smem:$0x3FAE] =	sst s6  }
0xf: {  	[smem:$0x3FAF] =	sst s7  }
0x10: {  	[smem:$0x3FB0] =	sst s8  }
0x11: {  	[smem:$0x3FB1] =	sst s9;
	s0 =	simm.s32 @!p0 $0x0  }
0x12: {  	s1 =	sld [smem:$0x3F97];
	s0 =	simm.s32 @p0 $0x1  }
0x13: {  	[smem:$0x3FB2] =	sst s0;
	s0 =	simm.s32 @!p1 $0x0  }
0x14: {  	s2 =	sld [smem:$0x3F96];
	s0 =	simm.s32 @p1 $0x1  }
0x15: {  	[smem:$0x3FB3] =	sst s0;
	s0 =	simm.s32 @!p2 $0x0  }
0x16: {  	s3 =	sld [smem:$0x3FDB];
	s0 =	simm.s32 @p2 $0x1  }
0x17: {  	s4 =	simm.s32 $0x1BF5;
	[smem:$0x3FB5] =	sst s0  }
0x18: {  	s0 =	sld [smem:$0x3F98];
	_ =	swait.ge [sflag:s4], $0x0  }
0x19: {  	s7 =	sld [smem:$0x3F99]  }
0x1a: {  	s8 =	sadd.s32 $0xFFFFE003, lr  }
0x1b: {  	s9 =	sadd.s32 $0xFFFFFEF7, lr;
	s5 =	simm.s32 $0xFFFFFFFF;
	p2 =	slt.u32 s8, $0xFFFFF086  }
0x1c: {  	p1 =	slt.u32 s9, $0xF7A;
	s5 =	simm.s32 @!p2 $0x0  }
0x1d: {  	s5 =	simm.s32 @p1 $0x1;
	p0 =	seq.s32 s7, s2  }
0x1e: {  	s7 =	smul.u32 @!p0 $0xF7A, s2;
	p2 =	seq.s32 @!p0 s5, $0x0  }
0x1f: {  	s9 =	smul.u32 $0xF7A, s1;
	s8 =	simm.s32 @!p0 $0x1BF5;
	p2 =	por !p2, p0  }
0x20: {  	[sflag:s8] =	ssyncset.s32 @!p0 $0xFFFFF086;
	s6 =	sadd.s32 @!p0 s3, s7;
	s7 =	simm.s32 @!p0 $0x108  }
0x21: {  	s3 =	sadd.s32 s3, s9;
	s6 =	sadd.s32 @!p0 $0x88, s6;
	s7 =	simm.s32 @p2 $0x1082  }
0x22: {  	[simem:s7], [sflag:s8] =	dma.local @!p0 [hbm:s6], $0xF7A  }
0x23: {  	s9 =	sor.u32 $0xD0000000, s2;
	s6 =	simm.s32 $0x108;
	_ =	swait.ge @!p0 [sflag:s8], $0x0  }
0x24: {  	s3 =	sadd.s32 $0x88, s3;
	s6 =	simm.s32 @!p1 $0x1082;
	[sflag:s4] =	ssyncset.s32 $0xFFFFF086  }
0x25: {  	[simem:s6], [sflag:s4] =	dma.local [hbm:s3], $0xF7A  }
0x26: {  	[smem:$0x3F99] =	sst s1;
	(tag) =	ssettag s2;
	_ =	strace s9  }
0x27: {  	s1 =	sld [smem:$0x3FA9]  }
0x28: {  	s2 =	sld [smem:$0x3FAA]  }
0x29: {  	s4 =	sld [smem:$0x3FAC]  }
0x2a: {  	p0 =	seq.s32 s5, $0x0;
	s5 =	sld [smem:$0x3FAD]  }
0x2b: {  	s6 =	sld [smem:$0x3FAE]  }
0x2c: {  	s7 =	sld [smem:$0x3FAF]  }
0x2d: {  	s3 =	simm.s32 $0x108;
	s8 =	sld [smem:$0x3FB0]  }
0x2e: {  	s3 =	simm.s32 @!p0 $0x1082;
	s9 =	sld [smem:$0x3FB1]  }
0x2f: {  	lr =	sadd.s32 s0, s3;
	s0 =	sld [smem:$0x3FA8]  }
0x30: {  	s3 =	sld [smem:$0x3FAB]  }
0x31: {  	[smem:$0x3FB4] =	sst s10  }
0x32: {  	s10 =	sld [smem:$0x3FB2];
	_ =	sdelay $0x3  }
0x33: {  	p0 =	seq.s32 s10, $0x1;
	s10 =	sld [smem:$0x3FB4];
	_ =	sdelay $0x3  }
0x34: {  	[smem:$0x3FB4] =	sst s10  }
0x35: {  	s10 =	sld [smem:$0x3FB3];
	_ =	sdelay $0x3  }
0x36: {  	p1 =	seq.s32 s10, $0x1;
	s10 =	sld [smem:$0x3FB4];
	_ =	sdelay $0x3  }
0x37: {  	[smem:$0x3FB4] =	sst s10  }
0x38: {  	s10 =	sld [smem:$0x3FB5]  }
0x39: {  	_ = 	snop;
	(pc) =	sbr.ind lr, $3  }
0x3a: {  	_ = 	snop  }
0x3b: {  	_ = 	snop  }
0x3c: {  	p2 =	seq.s32 s10, $0x1;
	s10 =	sld [smem:$0x3FB4]  }
0x3d: {  	_ =	shalt  }
0x3e: {  	_ =	shalt  }
0x3f: {  	_ =	shalt  }
0x40: {  	_ =	shalt  }
0x41: {  	_ =	shalt  }
0x42: {  	_ =	shalt  }
0x43: {  	_ =	shalt  }
0x44: {  	_ =	shalt  }
0x45: {  	_ =	shalt  }
0x46: {  	_ =	shalt  }
0x47: {  	_ =	shalt  }
0x48: {  	_ =	shalt  }
0x49: {  	_ =	shalt  }
0x4a: {  	_ =	shalt  }
0x4b: {  	_ =	shalt  }
0x4c: {  	_ =	shalt  }
0x4d: {  	_ =	shalt  }
0x4e: {  	_ =	shalt  }
0x4f: {  	_ =	shalt  }
0x50: {  	_ =	shalt  }
0x51: {  	_ =	shalt  }
0x52: {  	_ =	shalt  }
0x53: {  	_ =	shalt  }
0x54: {  	_ =	shalt  }
0x55: {  	_ =	shalt  }
0x56: {  	_ =	shalt  }
0x57: {  	_ =	shalt  }
0x58: {  	_ =	shalt  }
0x59: {  	_ =	shalt  }
0x5a: {  	_ =	shalt  }
0x5b: {  	_ =	shalt  }
0x5c: {  	_ =	shalt  }
0x5d: {  	_ =	shalt  }
0x5e: {  	_ =	shalt  }
0x5f: {  	_ =	shalt  }
0x60: {  	_ =	shalt  }
0x61: {  	_ =	shalt  }
0x62: {  	_ =	shalt  }
0x63: {  	_ =	shalt  }
0x64: {  	_ =	shalt  }
0x65: {  	_ =	shalt  }
0x66: {  	_ =	shalt  }
0x67: {  	_ =	shalt  }
0x68: {  	_ =	shalt  }
0x69: {  	_ =	shalt  }
0x6a: {  	_ =	shalt  }
0x6b: {  	_ =	shalt  }
0x6c: {  	_ =	shalt  }
0x6d: {  	_ =	shalt  }
0x6e: {  	_ =	shalt  }
0x6f: {  	_ =	shalt  }
0x70: {  	_ =	shalt  }
0x71: {  	_ =	shalt  }
0x72: {  	_ =	shalt  }
0x73: {  	_ =	shalt  }
0x74: {  	_ =	shalt  }
0x75: {  	_ =	shalt  }
0x76: {  	_ =	shalt  }
0x77: {  	_ =	shalt  }
0x78: {  	_ =	shalt  }
0x79: {  	_ =	shalt  }
0x7a: {  	_ =	shalt  }
0x7b: {  	_ =	shalt  }
0x7c: {  	_ =	shalt  }
0x7d: {  	_ =	shalt  }
0x7e: {  	_ =	shalt  }
0x7f: {  	_ =	shalt  }
0x80: {  	_ =	shalt  }
0x81: {  	_ =	shalt  }
0x82: {  	_ =	shalt  }
0x83: {  	_ =	shalt  }
0x84: {  	_ =	shalt  }
0x85: {  	_ =	shalt  }
0x86: {  	_ =	shalt  }
0x87: {  	_ =	shalt  }
.Lfunc_end0:
.L_simem_size_0:
called_computation.3_lowered:
.L_overlay_start_0:
0x88: {  	s2 =	sld [smem:$0x3FD9]  }
0x89: {  	s3 =	sld [smem:$0x3FFE];
	_ =	sdelay $0x1  }
0x8a: {  	s1 =	srdreg.scid  }
0x8b: {  	s0 =	sand.u32 $0x1, s1  }
0x8c: {  	s16 =	sshll.u32 s0, $0xA;
	s2 =	sadd.s32 s3, s2  }
0x8d: {  	s2 =	sadd.s32 s2, s16  }
0x8e: {  	[smem:$0x3FC0] =	sst s2  }
0x8f: {  	_ = 	snop  }
0x90: {  	(tm) =	ssettm $0x1  }
0x91: {  	s17 =	sld [smem:$0x3FFB];
	_ =	sdelay $0x3  }
0x92: {  	_ =	strace s17  }
0x93: {  	s2 =	sld [smem:$0x3FFC];
	_ =	sdelay $0x3  }
0x94: {  	_ =	strace s2  }
0x95: {  	s2 =	sld [smem:$0x3FFD];
	_ =	sdelay $0x3  }
0x96: {  	_ =	strace s2  }
0x97: {  	_ =	strace $0x8FFFFFFF  }
0x98: {  	s18 =	sld [smem:$0x3FDB];
	_ =	sdelay $0x1  }
0x99: {  	s19 =	simm.s32 $_scs_section_size  }
0x9a: {  	s4 =	simm.s32 $_size__tile_overlayer_lowered;
	s5 =	simm.s32 $_tile_overlayer_lowered  }
0x9b: {  	s22 =	simm.s32 $0x1BFF;
	s21 =	sshll.u32 s5, $0x1;
	s2 =	sadd.s32 s19, s18  }
0x9c: {  	s6 =	simm.s32 $0x0;
	s20 =	sshll.u32 s4, $0x1;
	s4 =	sadd.s32 s21, s2  }
0x9d: {  	[timem:s6], [sflag:s22] =	dma.local [hbm:s4], s20  }
0x9e: {  	_ =	swait.ge [sflag:s22], s20  }
0x9f: {  	s3 =	ssub.s32 $0x0, s20;
	[sflag:s22] =	ssyncset.done $0x0  }
0xa0: {  	[sflag:s22] =	ssyncadd.s32 s3;
	_ =	sdelay $0x1  }
0xa1: {  	s23 =	simm.s32 $0x1B8B  }
0xa2: {  	_ =	swait.ge [sflag:s23], $0x1  }
0xa3: {  	[sflag:s23] =	ssyncset.done $0x0  }
0xa4: {  	s25 =	simm.s32 $0x1B8E;
	s24 =	sld [smem:$0x3FFE];
	[sflag:s23] =	ssyncadd.s32 $0xFFFFFFFF  }
0xa5: {  	s26 =	simm.s32 $execute0_lowered;
	[smem:$0x3FD2] =	sst s25  }
0xa6: {  	s4 =	sshll.u32 s26, $0x1;
	_ =	strace $0x8000004F;
	[dreg:$0x1] =	wrdreg $0xFFFFFFFF  }
0xa7: {  	s28 =	simm.s32 $_size_execute0_lowered;
	s2 =	sadd.s32 s2, s4;
	[dreg:$0x0] =	wrdreg $0x0  }
0xa8: {  	s4 =	sshll.u32 s28, $0x1;
	[dreg:$0x2] =	wrdreg s2  }
0xa9: {  	[dreg:$0x3] =	wrdreg s4  }
0xaa: {  	[dreg:$0x4] =	wrdreg $0xC0  }
0xab: {  	_ =	task [dreg:s6], $0x5FFFF  }
0xac: {  	[dreg:$0x1] =	wrdreg $0xFFFFFFFF  }
0xad: {  	[dreg:$0x0] =	wrdreg $0x60  }
0xae: {  	[dreg:$0x2] =	wrdreg s24  }
0xaf: {  	[dreg:$0x3] =	wrdreg $0x48000  }
0xb0: {  	[dreg:$0x4] =	wrdreg $0x9  }
0xb1: {  	_ =	task.clear_ibuf [dreg:s6], $0x5FFFF;
	_ =	strace $0x9000004F  }
0xb2: {  	s29 =	simm.s32 $0x9;
	_ =	strace $0x80000051  }
0xb3: {  	_ =	swait.ge [sflag:s29], $0x1  }
0xb4: {  	[sflag:s29] =	ssyncadd.s32 $0xFFFFFFFF  }
0xb5: {  	_ =	strace $0x90000051  }
0xb6: {  	_ =	sfence  }
0xb7: {  	s30 =	sld [smem:$0x0];
	_ =	sdelay $0x2  }
0xb8: {  	s31 =	sshll.u32 s1, $0xD;
	s1 =	sshrl.u32 s1, $0x2  }
0xb9: {  	s3 =	sand.u32 $0x4000, s31;
	s1 =	sadd.s32 s1, s30  }
0xba: {  	s0 =	sor.u32 s3, s0;
	s1 =	sshll.u32 s1, $0x11  }
0xbb: {  	s0 =	sor.u32 s1, s0  }
0xbc: {  	s0 =	sadd.s32 $0x8F2B, s0  }
0xbd: {  	[sflag:s0] =	ssyncadd.remote.s32 $0x1  }
0xbe: {  	_ =	sfence.sel $0xFFFF  }
0xbf: {  	[dreg:$0x0] =	wrdreg $0xFFFFFFFF;
	(pc) =	sbr.abs _section_cstart, $3  }
0xc0: {  	[dreg:$0x1] =	wrdreg $0xFFFFFFFF  }
0xc1: {  	_ =	task.clear_ibuf [dreg:s6], $0x2FFFF;
	_ =	strace $0x9FFFFFFF  }
0xc2: {  	(tm) =	ssettm $0x7FFFFFFF  }
0xc3: {  	_ =	shalt  }
tec
execute0_lowered:
.L_overlay_start_1:
0x0: {  	(tag) =	ssettag $0x1  }
0x1: {  	s0 =	rddreg [dreg:$0x0]  }
0x2: {  	s1 =	rddreg [dreg:$0x1];
	s3 =	simm.s32 $0x0;
	s15 =	stileid.u32  }
0x3: {  	s4 =	srdreg.scid;
	s21 =	simm.s32 $0x400;
	s22 =	simm.s32 $0x200  }
0x4: {  	s23 =	simm.s32 $0x800;
	s28 =	simm.s32 $0x3;
	s29 =	simm.s32 $0x2  }
0x5: {  	s30 =	simm.s32 $0x4;
	s31 =	simm.s32 $0x0;
	[smem:$0x7FF] =	sst s3  }
0x6: {  	s2 =	sadd.s32 $0x1BF800, s0;
	s19 =	sadd.s32 $0xC8A00, s0;
	s5 =	smul.u32 $0x18700, s15  }
0x7: {  	s10 =	sand.u32 $0x1, s4;
	s4 =	sadd.s32 $0x18EA00, s0;
	s24 =	sshll.u32 s15, $0x6  }
0x8: {  	_ =	strace $0x80000050;
	s6 =	ssub.s32 $0x2, s10;
	s7 =	sshll.u32 s10, $0x4  }
0x9: {  	s14 =	smul.u32 $0x18C0, s10;
	p0 =	seq.s32 s10, $0x1;
	s8 =	sshrl.u32 s5, $0x3  }
0xa: {  	s9 =	sshrl.u32 s6, $0x1;
	s7 =	sor.u32 s15, s7;
	s5 =	sadd.s32 s5, s1  }
0xb: {  	s15 =	smul.u32 $0x18C, s15;
	s0 =	sadd.s32 s8, s0;
	s11 =	ssub.s32 s6, s9  }
0xc: {  	s13 =	smul.u32 $0x6300, s7;
	[dreg:$0x3] =	wrdreg s5;
	s7 =	sor.u32 $0x1C05, s24  }
0xd: {  	s24 =	simm.s32 $0x600;
	s6 =	sadd.s32 $0x5400, s0;
	s10 =	smax.u32 s11, $0x1  }
0xe: {  	s14 =	sadd.s32 s15, s14;
	s15 =	simm.s32 $0x285800;
	s8 =	sadd.s32 s2, s13  }
0xf: {  	s9 =	sadd.s32 s19, s13;
	s12 =	sor.u32 $0x40, s13;
	s16 =	sor.u32 $0x80, s13  }
0x10: {  	s20 =	sshll.u32 s14, $0x6;
	s15 =	simm.s32 @!p0 $0x67000;
	s11 =	sadd.s32 s2, s12  }
.Ltmp0:
0x11: {  	s12 =	sadd.s32 s19, s12;
	s13 =	sadd.s32 s2, s16;
	(pc) =	sbr.rel .LBB2_1-.Ltmp0, $4  }
0x12: {  	s14 =	sadd.s32 s19, s16;
	s17 =	sadd.s32 $0x100, s20;
	s15 =	sadd.s32 s15, s0  }
0x13: {  	s25 =	sadd.s32 s20, s2;
	s26 =	sadd.s32 s20, s19;
	s20 =	simm.s32 $0x5  }
0x14: {  	s16 =	sadd.s32 s17, s2;
	s17 =	sadd.s32 s17, s19;
	s18 =	sadd.s32 $0xC0, s25  }
0x15: {  	s19 =	sadd.s32 $0xC0, s26;
	s25 =	simm.s32 $0x1;
	s26 =	simm.s32 $0x2800  }
.LBB2_4:
0x16: {  	_ =	swait.ge [sflag:s29], $0x2000  }
0x17: {  	[sflag:s29] =	ssyncset.done $0x0  }
0x18: {  	[sflag:s29] =	ssyncadd.s32 $0xFFFFE000  }
0x19: {  	[spmem:s1] =	stream.indirect.scatter.add.f32 [tilespmem:s26], [sflag:$0x4], $0x10, s24, s22, $0xb8;
	[tilespmem:$0x1CF00] =	vst v63  }
0x1a: {  	_ =	swait.ge [sflag:s30], $0x2000  }
0x1b: {  	s31 =	sadd.s32 $0x1, s31;
	[sflag:s30] =	ssyncset.done $0x0  }
0x1c: {  	p0 =	sne.s32 s31, s10;
	[sflag:s30] =	ssyncadd.s32 $0xFFFFE000  }
.Ltmp1:
0x1d: {  	[bflag:$0x0] =	sbarrier.arrive $0xFFFF;
	(pc) =	sbr.rel @!p0 .LBB2_5-.Ltmp1, $4  }
0x1e: {  	[hbm:s15], [sflag:s7] =	dma.local [spmem:s0], $0x30E0  }
0x1f: {  	_ =	swait.ge [sflag:s20], $0x30E0  }
0x20: {  	[sflag:s20] =	ssyncset.done $0x0  }
0x21: {  	[sflag:s20] =	ssyncadd.s32 $0xFFFFCF20  }
.LBB2_1:
0x22: {  	s0 =	rddreg [dreg:$0x3]  }
0x23: {  	s0 =	sshrl.u32 s0, $0x3  }
0x24: {  	[spmem:s0], [sflag:s7] =	dma.local [hbm:s6], $0x30E0  }
0x25: {  	_ =	swait.ge [sflag:s20], $0x30E0  }
0x26: {  	[sflag:s20] =	ssyncset.done $0x0  }
0x27: {  	[sflag:s20] =	ssyncadd.s32 $0xFFFFCF20  }
0x28: {  	[bflag:$0x0] =	sbarrier.arrive $0xFFFF  }
0x29: {  	[tilespmem:s3], [sflag:$0x5] =	stream.linear.gather [hbm4b:s8+s3], $0x200, $0x38;
	[tilespmem:$0x1CF00] =	vst v63  }
0x2a: {  	_ =	swait.ge [sflag:s20], $0x200  }
0x2b: {  	[sflag:s20] =	ssyncset.done $0x0  }
0x2c: {  	[sflag:s20] =	ssyncadd.s32 $0xFFFFFE00  }
0x2d: {  	[tilespmem:s21], [sflag:$0x5] =	stream.linear.gather [hbm4b:s9+s3], $0x200, $0x38;
	[tilespmem:$0x1CF00] =	vst v63  }
0x2e: {  	_ =	swait.ge [sflag:s20], $0x200  }
0x2f: {  	[sflag:s20] =	ssyncset.done $0x0  }
0x30: {  	[sflag:s20] =	ssyncadd.s32 $0xFFFFFE00  }
0x31: {  	[tilespmem:s23], [sflag:$0x1] =	stream.indirect.gather [hbm4b:s4+s22], $0x10, s3, s22, $0xb8;
	[tilespmem:$0x1CF00] =	vst v63  }
0x32: {  	_ = 	snop  }
0x33: {  	[tilespmem:s22], [sflag:$0x5] =	stream.linear.gather [hbm4b:s11+s3], $0x200, $0x38;
	[tilespmem:$0x1CF00] =	vst v63  }
0x34: {  	_ =	swait.ge [sflag:s20], $0x200  }
0x35: {  	[sflag:s20] =	ssyncset.done $0x0  }
0x36: {  	[sflag:s20] =	ssyncadd.s32 $0xFFFFFE00  }
0x37: {  	[tilespmem:s24], [sflag:$0x5] =	stream.linear.gather [hbm4b:s12+s3], $0x200, $0x38;
	[tilespmem:$0x1CF00] =	vst v63  }
0x38: {  	_ =	swait.ge [sflag:s20], $0x200  }
0x39: {  	[sflag:s20] =	ssyncset.done $0x0  }
0x3a: {  	[sflag:s20] =	ssyncadd.s32 $0xFFFFFE00  }
0x3b: {  	_ =	swait.ge [sflag:s25], $0x2000  }
0x3c: {  	[sflag:s25] =	ssyncset.done $0x0  }
0x3d: {  	[sflag:s25] =	ssyncadd.s32 $0xFFFFE000  }
0x3e: {  	[spmem:s1] =	stream.indirect.scatter.add.f32 [tilespmem:s23], [sflag:$0x3], $0x10, s21, s22, $0xb8;
	[tilespmem:$0x1CF00] =	vst v63  }
0x3f: {  	_ = 	snop  }
0x40: {  	[tilespmem:s26], [sflag:$0x2] =	stream.indirect.gather [hbm4b:s4+s22], $0x10, s22, s22, $0xb8;
	[tilespmem:$0x1CF00] =	vst v63  }
0x41: {  	_ =	swait.ge [sflag:s28], $0x2000  }
0x42: {  	[sflag:s28] =	ssyncset.done $0x0  }
0x43: {  	[sflag:s28] =	ssyncadd.s32 $0xFFFFE000  }
0x44: {  	[tilespmem:s3], [sflag:$0x5] =	stream.linear.gather [hbm4b:s13+s3], $0x200, $0x38;
	[tilespmem:$0x1CF00] =	vst v63  }
0x45: {  	_ =	swait.ge [sflag:s20], $0x200  }
0x46: {  	[sflag:s20] =	ssyncset.done $0x0  }
0x47: {  	[sflag:s20] =	ssyncadd.s32 $0xFFFFFE00  }
0x48: {  	[tilespmem:s21], [sflag:$0x5] =	stream.linear.gather [hbm4b:s14+s3], $0x200, $0x38;
	[tilespmem:$0x1CF00] =	vst v63  }
0x49: {  	_ =	swait.ge [sflag:s20], $0x200  }
0x4a: {  	[sflag:s20] =	ssyncset.done $0x0  }
0x4b: {  	[sflag:s20] =	ssyncadd.s32 $0xFFFFFE00  }
0x4c: {  	_ =	swait.ge [sflag:s29], $0x2000  }
0x4d: {  	[sflag:s29] =	ssyncset.done $0x0  }
0x4e: {  	[sflag:s29] =	ssyncadd.s32 $0xFFFFE000  }
0x4f: {  	[spmem:s1] =	stream.indirect.scatter.add.f32 [tilespmem:s26], [sflag:$0x4], $0x10, s24, s22, $0xb8;
	[tilespmem:$0x1CF00] =	vst v63  }
0x50: {  	s2 =	simm.s32 $0x0  }
0x51: {  	[tilespmem:s23], [sflag:$0x1] =	stream.indirect.gather [hbm4b:s4+s22], $0x10, s3, s22, $0xb8;
	[tilespmem:$0x1CF00] =	vst v63  }
.LBB2_2:
0x52: {  	_ =	swait.ge [sflag:s30], $0x2000  }
0x53: {  	[sflag:s30] =	ssyncset.done $0x0  }
0x54: {  	s5 =	sadd.s32 s2, s18;
	[sflag:s30] =	ssyncadd.s32 $0xFFFFE000  }
0x55: {  	[tilespmem:s22], [sflag:$0x5] =	stream.linear.gather [hbm4b:s5+s3], $0x200, $0x38;
	[tilespmem:$0x1CF00] =	vst v63  }
0x56: {  	_ =	swait.ge [sflag:s20], $0x200  }
0x57: {  	[sflag:s20] =	ssyncset.done $0x0  }
0x58: {  	s5 =	sadd.s32 s2, s19;
	[sflag:s20] =	ssyncadd.s32 $0xFFFFFE00  }
0x59: {  	[tilespmem:s24], [sflag:$0x5] =	stream.linear.gather [hbm4b:s5+s3], $0x200, $0x38;
	[tilespmem:$0x1CF00] =	vst v63  }
0x5a: {  	_ =	swait.ge [sflag:s20], $0x200  }
0x5b: {  	[sflag:s20] =	ssyncset.done $0x0  }
0x5c: {  	[sflag:s20] =	ssyncadd.s32 $0xFFFFFE00  }
0x5d: {  	_ =	swait.ge [sflag:s25], $0x2000  }
0x5e: {  	[sflag:s25] =	ssyncset.done $0x0  }
0x5f: {  	p0 =	seq.s32 s2, $0x6200;
	[sflag:s25] =	ssyncadd.s32 $0xFFFFE000  }
0x60: {  	[spmem:s1] =	stream.indirect.scatter.add.f32 [tilespmem:s23], [sflag:$0x3], $0x10, s21, s22, $0xb8;
	[tilespmem:$0x1CF00] =	vst v63  }
.Ltmp2:
0x61: {  	_ = 	snop;
	(pc) =	sbr.rel @p0 .LBB2_4-.Ltmp2, $4  }
0x62: {  	[tilespmem:s26], [sflag:$0x2] =	stream.indirect.gather [hbm4b:s4+s22], $0x10, s22, s22, $0xb8;
	[tilespmem:$0x1CF00] =	vst v63  }
0x63: {  	_ =	swait.ge [sflag:s28], $0x2000  }
0x64: {  	[sflag:s28] =	ssyncset.done $0x0  }
0x65: {  	[sflag:s28] =	ssyncadd.s32 $0xFFFFE000  }
0x66: {  	s5 =	sadd.s32 s2, s16  }
0x67: {  	[tilespmem:s3], [sflag:$0x5] =	stream.linear.gather [hbm4b:s5+s3], $0x200, $0x38;
	[tilespmem:$0x1CF00] =	vst v63  }
0x68: {  	_ =	swait.ge [sflag:s20], $0x200  }
0x69: {  	[sflag:s20] =	ssyncset.done $0x0  }
0x6a: {  	s5 =	sadd.s32 s2, s17;
	[sflag:s20] =	ssyncadd.s32 $0xFFFFFE00  }
0x6b: {  	[tilespmem:s21], [sflag:$0x5] =	stream.linear.gather [hbm4b:s5+s3], $0x200, $0x38;
	[tilespmem:$0x1CF00] =	vst v63  }
0x6c: {  	_ =	swait.ge [sflag:s20], $0x200  }
0x6d: {  	[sflag:s20] =	ssyncset.done $0x0  }
0x6e: {  	[sflag:s20] =	ssyncadd.s32 $0xFFFFFE00  }
0x6f: {  	_ =	swait.ge [sflag:s29], $0x2000  }
.Ltmp3:
0x70: {  	[sflag:s29] =	ssyncset.done $0x0;
	(pc) =	sbr.rel .LBB2_2-.Ltmp3, $4  }
0x71: {  	[sflag:s29] =	ssyncadd.s32 $0xFFFFE000  }
0x72: {  	[spmem:s1] =	stream.indirect.scatter.add.f32 [tilespmem:s26], [sflag:$0x4], $0x10, s24, s22, $0xb8;
	[tilespmem:$0x1CF00] =	vst v63  }
0x73: {  	s2 =	sadd.s32 $0x80, s2  }
0x74: {  	[tilespmem:s23], [sflag:$0x1] =	stream.indirect.gather [hbm4b:s4+s22], $0x10, s3, s22, $0xb8;
	[tilespmem:$0x1CF00] =	vst v63  }
.LBB2_5:
0x75: {  	_ =	sfence.sel $0x180000  }
0x76: {  	[bflag:$0x0] =	sbarrier.arrive $0xFFFF  }
0x77: {  	_ =	strace $0x90000050  }
0x78: {  	s0 =	stileid.u32;
	[bflag:$0x2] =	sbarrier.arrive $0xFFFF  }
0x79: {  	p0 =	sne.s32 s0, $0x0;
	s0 =	rddreg [dreg:$0x2]  }
0x7a: {  	s0 =	sadd.s32 @!p0 $0x100000, s0  }
0x7b: {  	[sflag:s0] =	ssyncadd.tile.s32 @!p0 $0x1;
	_ =	shalt  }
.Lfunc_end2:
_tile_overlayer_lowered:
.L_overlay_start_2:
0x7c: {  	(tag) =	ssettag $0x2  }
0x7d: {  	s0 =	rddreg [dreg:$0x0];
	s2 =	stileid.u32  }
0x7e: {  	s1 =	rddreg [dreg:$0x1];
	p0 =	sne.s32 s2, $0x0  }
0x7f: {  	s3 =	rddreg [dreg:$0x2];
	[bflag:$0x3] =	sbarrier.arrive $0xFFFF;
	s2 =	simm.s32 @!p0 $0x1C05  }
0x80: {  	[timem:s3], [sflag:s2] =	dma.local @!p0 [hbm:s0], s1  }
0x81: {  	s0 =	simm.s32 @!p0 $0x5  }
0x82: {  	_ =	swait.ge @!p0 [sflag:s0], s1  }
0x83: {  	s1 =	ssub.s32 @!p0 $0x0, s1;
	[sflag:s0] =	ssyncset.done @!p0 $0x0  }
0x84: {  	[sflag:s0] =	ssyncadd.s32 @!p0 s1  }
0x85: {  	[bflag:$0x3] =	sbarrier.arrive $0xFFFF  }
0x86: {  	_ =	shalt  }

</sc_bundles>
